<compile_context>
chip_gen: v7x
topology: tpu7x:2x2x1
jax: 0.10.2.dev20260603
libtpu: 0.0.44.dev20260713+nightly
codegen_flags: <defaults>
</compile_context>

<pallas_src>
import functools

import jax
import jax.numpy as jnp
from jax import lax
from jax.experimental import pallas as pl
from jax.experimental.pallas import tpu as pltpu
from jax.experimental.pallas import tpu_sc as plsc

SEQ_LEN = 2048
D_MODEL = 1024
N_HALF = 2


def _make_sc_broadcast(n: int):
    info = plsc.get_sparse_core_info()
    num_workers = info.num_cores * info.num_subcores
    rows_per_w = SEQ_LEN // num_workers
    half = rows_per_w // N_HALF
    mesh = plsc.VectorSubcoreMesh(core_axis_name="c", subcore_axis_name="s")

    @functools.partial(
        pl.kernel,
        mesh=mesh,
        out_type=jax.ShapeDtypeStruct((SEQ_LEN, n, D_MODEL), jnp.float32),
        scratch_types=[
            pltpu.VMEM((half, D_MODEL), jnp.float32),
            pltpu.VMEM((half, D_MODEL), jnp.float32),
            pltpu.SemaphoreType.DMA,
            pltpu.SemaphoreType.DMA,
        ],
    )
    def sc_broadcast(pe_hbm, out_hbm, buf0, buf1, sem_in, sem_out):
        wid = lax.axis_index("s") * info.num_cores + lax.axis_index("c")
        base = wid * rows_per_w
        bufs = [buf0, buf1]
        reads = [
            pltpu.async_copy(
                pe_hbm.at[pl.ds(base + h * half, half)], bufs[h], sem_in
            )
            for h in range(N_HALF)
        ]
        writes = []
        for h in range(N_HALF):
            reads[h].wait()
            row = base + h * half
            writes.extend(
                pltpu.async_copy(
                    bufs[h], out_hbm.at[pl.ds(row, half), j], sem_out
                )
                for j in range(n)
            )
        for cp in writes:
            cp.wait()

    return sc_broadcast


def kernel(z, pe):
    n = z.shape[1]
    return _make_sc_broadcast(n)(pe)

# --- scband reference (transcript-rebuilt; emitter-appended) ---
"""Pipeline reference for scband-const-embedding-78134045049318 (READ-ONLY COPY).

The authoritative reference and input builder live on the scoring server;
editing this copy changes nothing except your own understanding.
"""

import jax, jax.numpy as jnp
import numpy as np

SEQ_LEN = 2048
D_MODEL = 1024
N_BATCH = 4


def setup_inputs(seed: int = 0) -> dict:
    key = jax.random.key(seed)
    k1, k2 = jax.random.split(key)
    # z: only its batch dimension (size(1)) is used by the module
    z = jax.random.normal(k1, (SEQ_LEN, N_BATCH, D_MODEL), dtype=jnp.float32)
    # Learned positional-encoding LUT (nn.Embedding(max_len=seq_len, d_model) weight)
    pe = jax.random.normal(k2, (SEQ_LEN, D_MODEL), dtype=jnp.float32) * 0.02
    return {"z": z, "pe": pe}


def reference(z, pe):
    # ConstEmbedding.forward:
    #   N = z.size(1)
    #   src = PE(z.new_zeros(seq_len, N, d_model))
    # PositionalEncodingLUT: x + embedding(arange(seq_len))[:, None, :], then dropout (identity in eval)
    n = z.shape[1]
    src = jnp.zeros((SEQ_LEN, n, D_MODEL), dtype=z.dtype)
    pos = jnp.arange(SEQ_LEN)
    lut = jnp.take(pe, pos, axis=0)          # embedding lookup -> [seq_len, d_model]
    src = src + lut[:, None, :]               # broadcast over batch -> [seq_len, N, d_model]
    return src

if __name__ == "__main__":
    import jax
    _d = setup_inputs()
    print(jax.jit(kernel)(*tuple(_d.values())))

</pallas_src>

<mosaic_0001>
#map = affine_map<(d0, d1) -> (0, 0)>
#map1 = affine_map<(d0, d1) -> (0, 0, 0)>
module attributes {stable_mosaic.version = 14 : i64} {
  func.func @sc_broadcast(%arg0: i32, %arg1: i32, %arg2: memref<2048x1024xf32, #tpu.memory_space<hbm>>, %arg3: memref<2048x4x1024xf32, #tpu.memory_space<hbm>>, %arg4: memref<32x1024xf32, #tpu.memory_space<vmem>>, %arg5: memref<32x1024xf32, #tpu.memory_space<vmem>>, %arg6: memref<!tpu.dma_semaphore, #tpu.memory_space<semaphore_mem>>, %arg7: memref<!tpu.dma_semaphore, #tpu.memory_space<semaphore_mem>>) attributes {dimension_semantics = [#tpu.dimension_semantics<core_parallel>, #tpu.dimension_semantics<subcore_parallel>], iteration_bounds = array<i64: 2, 16>, scalar_prefetch = 0 : i64, scratch_operands = 4 : i64, tpu.core_type = #tpu.core_type<sc_vector_subcore>, window_params = [{transform_indices = #map}, {transform_indices = #map1}]} {
    %mul3A = arith.constant 2 : i32
    %mul3A_0 = arith.muli %arg1, %mul3A : i32
    %add3A = arith.addi %mul3A_0, %arg0 : i32
    %mul3A_1 = arith.constant 64 : i32
    %mul3A_2 = arith.muli %add3A, %mul3A_1 : i32
    %add3A_3 = arith.constant 0 : i32
    %add3A_4 = arith.addi %mul3A_2, %add3A_3 : i32
    %dma_start3A = arith.constant 0 : i32
    %dma_start3A_5 = tpu.memref_slice %arg2[%add3A_4, %dma_start3A] : memref<2048x1024xf32, #tpu.memory_space<hbm>> -> memref<32x1024xf32, #tpu.memory_space<hbm>>
    %dma_start3A_6 = arith.constant 0 : i32
    %dma_start3A_7 = tpu.memref_slice %arg2[%add3A_4, %dma_start3A_6] : memref<2048x1024xf32, #tpu.memory_space<hbm>> -> memref<32x1024xf32, #tpu.memory_space<hbm>>
    tpu.enqueue_dma source(%dma_start3A_7 : memref<32x1024xf32, #tpu.memory_space<hbm>>) target(%arg4 : memref<32x1024xf32, #tpu.memory_space<vmem>>) target_semaphore(%arg6 : memref<!tpu.dma_semaphore, #tpu.memory_space<semaphore_mem>>)
    %add3A_8 = arith.constant 32 : i32
    %add3A_9 = arith.addi %mul3A_2, %add3A_8 : i32
    %dma_start3A_10 = arith.constant 0 : i32
    %dma_start3A_11 = tpu.memref_slice %arg2[%add3A_9, %dma_start3A_10] : memref<2048x1024xf32, #tpu.memory_space<hbm>> -> memref<32x1024xf32, #tpu.memory_space<hbm>>
    %dma_start3A_12 = arith.constant 0 : i32
    %dma_start3A_13 = tpu.memref_slice %arg2[%add3A_9, %dma_start3A_12] : memref<2048x1024xf32, #tpu.memory_space<hbm>> -> memref<32x1024xf32, #tpu.memory_space<hbm>>
    tpu.enqueue_dma source(%dma_start3A_13 : memref<32x1024xf32, #tpu.memory_space<hbm>>) target(%arg5 : memref<32x1024xf32, #tpu.memory_space<vmem>>) target_semaphore(%arg6 : memref<!tpu.dma_semaphore, #tpu.memory_space<semaphore_mem>>)
    %dma_wait3A = arith.constant 0 : i32
    %dma_wait3A_14 = tpu.memref_slice %arg2[%add3A_4, %dma_wait3A] : memref<2048x1024xf32, #tpu.memory_space<hbm>> -> memref<32x1024xf32, #tpu.memory_space<hbm>>
    %dma_wait3A_15 = arith.constant 0 : i32
    %dma_wait3A_16 = tpu.memref_slice %arg2[%add3A_4, %dma_wait3A_15] : memref<2048x1024xf32, #tpu.memory_space<hbm>> -> memref<32x1024xf32, #tpu.memory_space<hbm>>
    tpu.wait_dma2 semaphore(%arg6 : memref<!tpu.dma_semaphore, #tpu.memory_space<semaphore_mem>>) src(%dma_wait3A_16 : memref<32x1024xf32, #tpu.memory_space<hbm>>) dst(%arg4 : memref<32x1024xf32, #tpu.memory_space<vmem>>)
    %add3A_17 = arith.constant 0 : i32
    %add3A_18 = arith.addi %mul3A_2, %add3A_17 : i32
    %dma_start3A_19 = arith.constant 0 : i32
    %dma_start3A_20 = arith.constant 0 : i32
    %dma_start3A_21 = tpu.memref_slice %arg3[%add3A_18, %dma_start3A_19, %dma_start3A_20] : memref<2048x4x1024xf32, #tpu.memory_space<hbm>> -> memref<32x1x1024xf32, #tpu.memory_space<hbm>>
    %dma_start3A_22 = tpu.memref_squeeze %dma_start3A_21 : memref<32x1x1024xf32, #tpu.memory_space<hbm>> -> memref<32x1024xf32, #tpu.memory_space<hbm>>
    %dma_start3A_23 = arith.constant 0 : i32
    %dma_start3A_24 = tpu.memref_slice %arg3[%add3A_18, %dma_start3A_19, %dma_start3A_23] : memref<2048x4x1024xf32, #tpu.memory_space<hbm>> -> memref<32x1x1024xf32, #tpu.memory_space<hbm>>
    %dma_start3A_25 = tpu.memref_squeeze %dma_start3A_24 : memref<32x1x1024xf32, #tpu.memory_space<hbm>> -> memref<32x1024xf32, #tpu.memory_space<hbm>>
    tpu.enqueue_dma source(%arg4 : memref<32x1024xf32, #tpu.memory_space<vmem>>) target(%dma_start3A_25 : memref<32x1024xf32, #tpu.memory_space<hbm>>) target_semaphore(%arg7 : memref<!tpu.dma_semaphore, #tpu.memory_space<semaphore_mem>>)
    %dma_start3A_26 = arith.constant 1 : i32
    %dma_start3A_27 = arith.constant 0 : i32
    %dma_start3A_28 = tpu.memref_slice %arg3[%add3A_18, %dma_start3A_26, %dma_start3A_27] : memref<2048x4x1024xf32, #tpu.memory_space<hbm>> -> memref<32x1x1024xf32, #tpu.memory_space<hbm>>
    %dma_start3A_29 = tpu.memref_squeeze %dma_start3A_28 : memref<32x1x1024xf32, #tpu.memory_space<hbm>> -> memref<32x1024xf32, #tpu.memory_space<hbm>>
    %dma_start3A_30 = arith.constant 0 : i32
    %dma_start3A_31 = tpu.memref_slice %arg3[%add3A_18, %dma_start3A_26, %dma_start3A_30] : memref<2048x4x1024xf32, #tpu.memory_space<hbm>> -> memref<32x1x1024xf32, #tpu.memory_space<hbm>>
    %dma_start3A_32 = tpu.memref_squeeze %dma_start3A_31 : memref<32x1x1024xf32, #tpu.memory_space<hbm>> -> memref<32x1024xf32, #tpu.memory_space<hbm>>
    tpu.enqueue_dma source(%arg4 : memref<32x1024xf32, #tpu.memory_space<vmem>>) target(%dma_start3A_32 : memref<32x1024xf32, #tpu.memory_space<hbm>>) target_semaphore(%arg7 : memref<!tpu.dma_semaphore, #tpu.memory_space<semaphore_mem>>)
    %dma_start3A_33 = arith.constant 2 : i32
    %dma_start3A_34 = arith.constant 0 : i32
    %dma_start3A_35 = tpu.memref_slice %arg3[%add3A_18, %dma_start3A_33, %dma_start3A_34] : memref<2048x4x1024xf32, #tpu.memory_space<hbm>> -> memref<32x1x1024xf32, #tpu.memory_space<hbm>>
    %dma_start3A_36 = tpu.memref_squeeze %dma_start3A_35 : memref<32x1x1024xf32, #tpu.memory_space<hbm>> -> memref<32x1024xf32, #tpu.memory_space<hbm>>
    %dma_start3A_37 = arith.constant 0 : i32
    %dma_start3A_38 = tpu.memref_slice %arg3[%add3A_18, %dma_start3A_33, %dma_start3A_37] : memref<2048x4x1024xf32, #tpu.memory_space<hbm>> -> memref<32x1x1024xf32, #tpu.memory_space<hbm>>
    %dma_start3A_39 = tpu.memref_squeeze %dma_start3A_38 : memref<32x1x1024xf32, #tpu.memory_space<hbm>> -> memref<32x1024xf32, #tpu.memory_space<hbm>>
    tpu.enqueue_dma source(%arg4 : memref<32x1024xf32, #tpu.memory_space<vmem>>) target(%dma_start3A_39 : memref<32x1024xf32, #tpu.memory_space<hbm>>) target_semaphore(%arg7 : memref<!tpu.dma_semaphore, #tpu.memory_space<semaphore_mem>>)
    %dma_start3A_40 = arith.constant 3 : i32
    %dma_start3A_41 = arith.constant 0 : i32
    %dma_start3A_42 = tpu.memref_slice %arg3[%add3A_18, %dma_start3A_40, %dma_start3A_41] : memref<2048x4x1024xf32, #tpu.memory_space<hbm>> -> memref<32x1x1024xf32, #tpu.memory_space<hbm>>
    %dma_start3A_43 = tpu.memref_squeeze %dma_start3A_42 : memref<32x1x1024xf32, #tpu.memory_space<hbm>> -> memref<32x1024xf32, #tpu.memory_space<hbm>>
    %dma_start3A_44 = arith.constant 0 : i32
    %dma_start3A_45 = tpu.memref_slice %arg3[%add3A_18, %dma_start3A_40, %dma_start3A_44] : memref<2048x4x1024xf32, #tpu.memory_space<hbm>> -> memref<32x1x1024xf32, #tpu.memory_space<hbm>>
    %dma_start3A_46 = tpu.memref_squeeze %dma_start3A_45 : memref<32x1x1024xf32, #tpu.memory_space<hbm>> -> memref<32x1024xf32, #tpu.memory_space<hbm>>
    tpu.enqueue_dma source(%arg4 : memref<32x1024xf32, #tpu.memory_space<vmem>>) target(%dma_start3A_46 : memref<32x1024xf32, #tpu.memory_space<hbm>>) target_semaphore(%arg7 : memref<!tpu.dma_semaphore, #tpu.memory_space<semaphore_mem>>)
    %dma_wait3A_47 = arith.constant 0 : i32
    %dma_wait3A_48 = tpu.memref_slice %arg2[%add3A_9, %dma_wait3A_47] : memref<2048x1024xf32, #tpu.memory_space<hbm>> -> memref<32x1024xf32, #tpu.memory_space<hbm>>
    %dma_wait3A_49 = arith.constant 0 : i32
    %dma_wait3A_50 = tpu.memref_slice %arg2[%add3A_9, %dma_wait3A_49] : memref<2048x1024xf32, #tpu.memory_space<hbm>> -> memref<32x1024xf32, #tpu.memory_space<hbm>>
    tpu.wait_dma2 semaphore(%arg6 : memref<!tpu.dma_semaphore, #tpu.memory_space<semaphore_mem>>) src(%dma_wait3A_50 : memref<32x1024xf32, #tpu.memory_space<hbm>>) dst(%arg5 : memref<32x1024xf32, #tpu.memory_space<vmem>>)
    %add3A_51 = arith.constant 32 : i32
    %add3A_52 = arith.addi %mul3A_2, %add3A_51 : i32
    %dma_start3A_53 = arith.constant 0 : i32
    %dma_start3A_54 = arith.constant 0 : i32
    %dma_start3A_55 = tpu.memref_slice %arg3[%add3A_52, %dma_start3A_53, %dma_start3A_54] : memref<2048x4x1024xf32, #tpu.memory_space<hbm>> -> memref<32x1x1024xf32, #tpu.memory_space<hbm>>
    %dma_start3A_56 = tpu.memref_squeeze %dma_start3A_55 : memref<32x1x1024xf32, #tpu.memory_space<hbm>> -> memref<32x1024xf32, #tpu.memory_space<hbm>>
    %dma_start3A_57 = arith.constant 0 : i32
    %dma_start3A_58 = tpu.memref_slice %arg3[%add3A_52, %dma_start3A_53, %dma_start3A_57] : memref<2048x4x1024xf32, #tpu.memory_space<hbm>> -> memref<32x1x1024xf32, #tpu.memory_space<hbm>>
    %dma_start3A_59 = tpu.memref_squeeze %dma_start3A_58 : memref<32x1x1024xf32, #tpu.memory_space<hbm>> -> memref<32x1024xf32, #tpu.memory_space<hbm>>
    tpu.enqueue_dma source(%arg5 : memref<32x1024xf32, #tpu.memory_space<vmem>>) target(%dma_start3A_59 : memref<32x1024xf32, #tpu.memory_space<hbm>>) target_semaphore(%arg7 : memref<!tpu.dma_semaphore, #tpu.memory_space<semaphore_mem>>)
    %dma_start3A_60 = arith.constant 1 : i32
    %dma_start3A_61 = arith.constant 0 : i32
    %dma_start3A_62 = tpu.memref_slice %arg3[%add3A_52, %dma_start3A_60, %dma_start3A_61] : memref<2048x4x1024xf32, #tpu.memory_space<hbm>> -> memref<32x1x1024xf32, #tpu.memory_space<hbm>>
    %dma_start3A_63 = tpu.memref_squeeze %dma_start3A_62 : memref<32x1x1024xf32, #tpu.memory_space<hbm>> -> memref<32x1024xf32, #tpu.memory_space<hbm>>
    %dma_start3A_64 = arith.constant 0 : i32
    %dma_start3A_65 = tpu.memref_slice %arg3[%add3A_52, %dma_start3A_60, %dma_start3A_64] : memref<2048x4x1024xf32, #tpu.memory_space<hbm>> -> memref<32x1x1024xf32, #tpu.memory_space<hbm>>
    %dma_start3A_66 = tpu.memref_squeeze %dma_start3A_65 : memref<32x1x1024xf32, #tpu.memory_space<hbm>> -> memref<32x1024xf32, #tpu.memory_space<hbm>>
    tpu.enqueue_dma source(%arg5 : memref<32x1024xf32, #tpu.memory_space<vmem>>) target(%dma_start3A_66 : memref<32x1024xf32, #tpu.memory_space<hbm>>) target_semaphore(%arg7 : memref<!tpu.dma_semaphore, #tpu.memory_space<semaphore_mem>>)
    %dma_start3A_67 = arith.constant 2 : i32
    %dma_start3A_68 = arith.constant 0 : i32
    %dma_start3A_69 = tpu.memref_slice %arg3[%add3A_52, %dma_start3A_67, %dma_start3A_68] : memref<2048x4x1024xf32, #tpu.memory_space<hbm>> -> memref<32x1x1024xf32, #tpu.memory_space<hbm>>
    %dma_start3A_70 = tpu.memref_squeeze %dma_start3A_69 : memref<32x1x1024xf32, #tpu.memory_space<hbm>> -> memref<32x1024xf32, #tpu.memory_space<hbm>>
    %dma_start3A_71 = arith.constant 0 : i32
    %dma_start3A_72 = tpu.memref_slice %arg3[%add3A_52, %dma_start3A_67, %dma_start3A_71] : memref<2048x4x1024xf32, #tpu.memory_space<hbm>> -> memref<32x1x1024xf32, #tpu.memory_space<hbm>>
    %dma_start3A_73 = tpu.memref_squeeze %dma_start3A_72 : memref<32x1x1024xf32, #tpu.memory_space<hbm>> -> memref<32x1024xf32, #tpu.memory_space<hbm>>
    tpu.enqueue_dma source(%arg5 : memref<32x1024xf32, #tpu.memory_space<vmem>>) target(%dma_start3A_73 : memref<32x1024xf32, #tpu.memory_space<hbm>>) target_semaphore(%arg7 : memref<!tpu.dma_semaphore, #tpu.memory_space<semaphore_mem>>)
    %dma_start3A_74 = arith.constant 3 : i32
    %dma_start3A_75 = arith.constant 0 : i32
    %dma_start3A_76 = tpu.memref_slice %arg3[%add3A_52, %dma_start3A_74, %dma_start3A_75] : memref<2048x4x1024xf32, #tpu.memory_space<hbm>> -> memref<32x1x1024xf32, #tpu.memory_space<hbm>>
    %dma_start3A_77 = tpu.memref_squeeze %dma_start3A_76 : memref<32x1x1024xf32, #tpu.memory_space<hbm>> -> memref<32x1024xf32, #tpu.memory_space<hbm>>
    %dma_start3A_78 = arith.constant 0 : i32
    %dma_start3A_79 = tpu.memref_slice %arg3[%add3A_52, %dma_start3A_74, %dma_start3A_78] : memref<2048x4x1024xf32, #tpu.memory_space<hbm>> -> memref<32x1x1024xf32, #tpu.memory_space<hbm>>
    %dma_start3A_80 = tpu.memref_squeeze %dma_start3A_79 : memref<32x1x1024xf32, #tpu.memory_space<hbm>> -> memref<32x1024xf32, #tpu.memory_space<hbm>>
    tpu.enqueue_dma source(%arg5 : memref<32x1024xf32, #tpu.memory_space<vmem>>) target(%dma_start3A_80 : memref<32x1024xf32, #tpu.memory_space<hbm>>) target_semaphore(%arg7 : memref<!tpu.dma_semaphore, #tpu.memory_space<semaphore_mem>>)
    %dma_wait3A_81 = arith.constant 0 : i32
    %dma_wait3A_82 = arith.constant 0 : i32
    %dma_wait3A_83 = tpu.memref_slice %arg3[%add3A_18, %dma_wait3A_81, %dma_wait3A_82] : memref<2048x4x1024xf32, #tpu.memory_space<hbm>> -> memref<32x1x1024xf32, #tpu.memory_space<hbm>>
    %dma_wait3A_84 = tpu.memref_squeeze %dma_wait3A_83 : memref<32x1x1024xf32, #tpu.memory_space<hbm>> -> memref<32x1024xf32, #tpu.memory_space<hbm>>
    %dma_wait3A_85 = arith.constant 0 : i32
    %dma_wait3A_86 = tpu.memref_slice %arg3[%add3A_18, %dma_wait3A_81, %dma_wait3A_85] : memref<2048x4x1024xf32, #tpu.memory_space<hbm>> -> memref<32x1x1024xf32, #tpu.memory_space<hbm>>
    %dma_wait3A_87 = tpu.memref_squeeze %dma_wait3A_86 : memref<32x1x1024xf32, #tpu.memory_space<hbm>> -> memref<32x1024xf32, #tpu.memory_space<hbm>>
    tpu.wait_dma2 semaphore(%arg7 : memref<!tpu.dma_semaphore, #tpu.memory_space<semaphore_mem>>) src(%arg4 : memref<32x1024xf32, #tpu.memory_space<vmem>>) dst(%dma_wait3A_87 : memref<32x1024xf32, #tpu.memory_space<hbm>>)
    %dma_wait3A_88 = arith.constant 1 : i32
    %dma_wait3A_89 = arith.constant 0 : i32
    %dma_wait3A_90 = tpu.memref_slice %arg3[%add3A_18, %dma_wait3A_88, %dma_wait3A_89] : memref<2048x4x1024xf32, #tpu.memory_space<hbm>> -> memref<32x1x1024xf32, #tpu.memory_space<hbm>>
    %dma_wait3A_91 = tpu.memref_squeeze %dma_wait3A_90 : memref<32x1x1024xf32, #tpu.memory_space<hbm>> -> memref<32x1024xf32, #tpu.memory_space<hbm>>
    %dma_wait3A_92 = arith.constant 0 : i32
    %dma_wait3A_93 = tpu.memref_slice %arg3[%add3A_18, %dma_wait3A_88, %dma_wait3A_92] : memref<2048x4x1024xf32, #tpu.memory_space<hbm>> -> memref<32x1x1024xf32, #tpu.memory_space<hbm>>
    %dma_wait3A_94 = tpu.memref_squeeze %dma_wait3A_93 : memref<32x1x1024xf32, #tpu.memory_space<hbm>> -> memref<32x1024xf32, #tpu.memory_space<hbm>>
    tpu.wait_dma2 semaphore(%arg7 : memref<!tpu.dma_semaphore, #tpu.memory_space<semaphore_mem>>) src(%arg4 : memref<32x1024xf32, #tpu.memory_space<vmem>>) dst(%dma_wait3A_94 : memref<32x1024xf32, #tpu.memory_space<hbm>>)
    %dma_wait3A_95 = arith.constant 2 : i32
    %dma_wait3A_96 = arith.constant 0 : i32
    %dma_wait3A_97 = tpu.memref_slice %arg3[%add3A_18, %dma_wait3A_95, %dma_wait3A_96] : memref<2048x4x1024xf32, #tpu.memory_space<hbm>> -> memref<32x1x1024xf32, #tpu.memory_space<hbm>>
    %dma_wait3A_98 = tpu.memref_squeeze %dma_wait3A_97 : memref<32x1x1024xf32, #tpu.memory_space<hbm>> -> memref<32x1024xf32, #tpu.memory_space<hbm>>
    %dma_wait3A_99 = arith.constant 0 : i32
    %dma_wait3A_100 = tpu.memref_slice %arg3[%add3A_18, %dma_wait3A_95, %dma_wait3A_99] : memref<2048x4x1024xf32, #tpu.memory_space<hbm>> -> memref<32x1x1024xf32, #tpu.memory_space<hbm>>
    %dma_wait3A_101 = tpu.memref_squeeze %dma_wait3A_100 : memref<32x1x1024xf32, #tpu.memory_space<hbm>> -> memref<32x1024xf32, #tpu.memory_space<hbm>>
    tpu.wait_dma2 semaphore(%arg7 : memref<!tpu.dma_semaphore, #tpu.memory_space<semaphore_mem>>) src(%arg4 : memref<32x1024xf32, #tpu.memory_space<vmem>>) dst(%dma_wait3A_101 : memref<32x1024xf32, #tpu.memory_space<hbm>>)
    %dma_wait3A_102 = arith.constant 3 : i32
    %dma_wait3A_103 = arith.constant 0 : i32
    %dma_wait3A_104 = tpu.memref_slice %arg3[%add3A_18, %dma_wait3A_102, %dma_wait3A_103] : memref<2048x4x1024xf32, #tpu.memory_space<hbm>> -> memref<32x1x1024xf32, #tpu.memory_space<hbm>>
    %dma_wait3A_105 = tpu.memref_squeeze %dma_wait3A_104 : memref<32x1x1024xf32, #tpu.memory_space<hbm>> -> memref<32x1024xf32, #tpu.memory_space<hbm>>
    %dma_wait3A_106 = arith.constant 0 : i32
    %dma_wait3A_107 = tpu.memref_slice %arg3[%add3A_18, %dma_wait3A_102, %dma_wait3A_106] : memref<2048x4x1024xf32, #tpu.memory_space<hbm>> -> memref<32x1x1024xf32, #tpu.memory_space<hbm>>
    %dma_wait3A_108 = tpu.memref_squeeze %dma_wait3A_107 : memref<32x1x1024xf32, #tpu.memory_space<hbm>> -> memref<32x1024xf32, #tpu.memory_space<hbm>>
    tpu.wait_dma2 semaphore(%arg7 : memref<!tpu.dma_semaphore, #tpu.memory_space<semaphore_mem>>) src(%arg4 : memref<32x1024xf32, #tpu.memory_space<vmem>>) dst(%dma_wait3A_108 : memref<32x1024xf32, #tpu.memory_space<hbm>>)
    %dma_wait3A_109 = arith.constant 0 : i32
    %dma_wait3A_110 = arith.constant 0 : i32
    %dma_wait3A_111 = tpu.memref_slice %arg3[%add3A_52, %dma_wait3A_109, %dma_wait3A_110] : memref<2048x4x1024xf32, #tpu.memory_space<hbm>> -> memref<32x1x1024xf32, #tpu.memory_space<hbm>>
    %dma_wait3A_112 = tpu.memref_squeeze %dma_wait3A_111 : memref<32x1x1024xf32, #tpu.memory_space<hbm>> -> memref<32x1024xf32, #tpu.memory_space<hbm>>
    %dma_wait3A_113 = arith.constant 0 : i32
    %dma_wait3A_114 = tpu.memref_slice %arg3[%add3A_52, %dma_wait3A_109, %dma_wait3A_113] : memref<2048x4x1024xf32, #tpu.memory_space<hbm>> -> memref<32x1x1024xf32, #tpu.memory_space<hbm>>
    %dma_wait3A_115 = tpu.memref_squeeze %dma_wait3A_114 : memref<32x1x1024xf32, #tpu.memory_space<hbm>> -> memref<32x1024xf32, #tpu.memory_space<hbm>>
    tpu.wait_dma2 semaphore(%arg7 : memref<!tpu.dma_semaphore, #tpu.memory_space<semaphore_mem>>) src(%arg5 : memref<32x1024xf32, #tpu.memory_space<vmem>>) dst(%dma_wait3A_115 : memref<32x1024xf32, #tpu.memory_space<hbm>>)
    %dma_wait3A_116 = arith.constant 1 : i32
    %dma_wait3A_117 = arith.constant 0 : i32
    %dma_wait3A_118 = tpu.memref_slice %arg3[%add3A_52, %dma_wait3A_116, %dma_wait3A_117] : memref<2048x4x1024xf32, #tpu.memory_space<hbm>> -> memref<32x1x1024xf32, #tpu.memory_space<hbm>>
    %dma_wait3A_119 = tpu.memref_squeeze %dma_wait3A_118 : memref<32x1x1024xf32, #tpu.memory_space<hbm>> -> memref<32x1024xf32, #tpu.memory_space<hbm>>
    %dma_wait3A_120 = arith.constant 0 : i32
    %dma_wait3A_121 = tpu.memref_slice %arg3[%add3A_52, %dma_wait3A_116, %dma_wait3A_120] : memref<2048x4x1024xf32, #tpu.memory_space<hbm>> -> memref<32x1x1024xf32, #tpu.memory_space<hbm>>
    %dma_wait3A_122 = tpu.memref_squeeze %dma_wait3A_121 : memref<32x1x1024xf32, #tpu.memory_space<hbm>> -> memref<32x1024xf32, #tpu.memory_space<hbm>>
    tpu.wait_dma2 semaphore(%arg7 : memref<!tpu.dma_semaphore, #tpu.memory_space<semaphore_mem>>) src(%arg5 : memref<32x1024xf32, #tpu.memory_space<vmem>>) dst(%dma_wait3A_122 : memref<32x1024xf32, #tpu.memory_space<hbm>>)
    %dma_wait3A_123 = arith.constant 2 : i32
    %dma_wait3A_124 = arith.constant 0 : i32
    %dma_wait3A_125 = tpu.memref_slice %arg3[%add3A_52, %dma_wait3A_123, %dma_wait3A_124] : memref<2048x4x1024xf32, #tpu.memory_space<hbm>> -> memref<32x1x1024xf32, #tpu.memory_space<hbm>>
    %dma_wait3A_126 = tpu.memref_squeeze %dma_wait3A_125 : memref<32x1x1024xf32, #tpu.memory_space<hbm>> -> memref<32x1024xf32, #tpu.memory_space<hbm>>
    %dma_wait3A_127 = arith.constant 0 : i32
    %dma_wait3A_128 = tpu.memref_slice %arg3[%add3A_52, %dma_wait3A_123, %dma_wait3A_127] : memref<2048x4x1024xf32, #tpu.memory_space<hbm>> -> memref<32x1x1024xf32, #tpu.memory_space<hbm>>
    %dma_wait3A_129 = tpu.memref_squeeze %dma_wait3A_128 : memref<32x1x1024xf32, #tpu.memory_space<hbm>> -> memref<32x1024xf32, #tpu.memory_space<hbm>>
    tpu.wait_dma2 semaphore(%arg7 : memref<!tpu.dma_semaphore, #tpu.memory_space<semaphore_mem>>) src(%arg5 : memref<32x1024xf32, #tpu.memory_space<vmem>>) dst(%dma_wait3A_129 : memref<32x1024xf32, #tpu.memory_space<hbm>>)
    %dma_wait3A_130 = arith.constant 3 : i32
    %dma_wait3A_131 = arith.constant 0 : i32
    %dma_wait3A_132 = tpu.memref_slice %arg3[%add3A_52, %dma_wait3A_130, %dma_wait3A_131] : memref<2048x4x1024xf32, #tpu.memory_space<hbm>> -> memref<32x1x1024xf32, #tpu.memory_space<hbm>>
    %dma_wait3A_133 = tpu.memref_squeeze %dma_wait3A_132 : memref<32x1x1024xf32, #tpu.memory_space<hbm>> -> memref<32x1024xf32, #tpu.memory_space<hbm>>
    %dma_wait3A_134 = arith.constant 0 : i32
    %dma_wait3A_135 = tpu.memref_slice %arg3[%add3A_52, %dma_wait3A_130, %dma_wait3A_134] : memref<2048x4x1024xf32, #tpu.memory_space<hbm>> -> memref<32x1x1024xf32, #tpu.memory_space<hbm>>
    %dma_wait3A_136 = tpu.memref_squeeze %dma_wait3A_135 : memref<32x1x1024xf32, #tpu.memory_space<hbm>> -> memref<32x1024xf32, #tpu.memory_space<hbm>>
    tpu.wait_dma2 semaphore(%arg7 : memref<!tpu.dma_semaphore, #tpu.memory_space<semaphore_mem>>) src(%arg5 : memref<32x1024xf32, #tpu.memory_space<vmem>>) dst(%dma_wait3A_136 : memref<32x1024xf32, #tpu.memory_space<hbm>>)
    return
  }
}

</mosaic_0001>

<sc_bundles>
// kernel: kernel.3.cloned.1.call-start
scs
__scs_entry_jumppad:
0x0: {  	(pc) =	sbr.rel $0x88, $3  }
0x1: {  	(tag) =	ssettag $0x0;
	lr =	simm.s32 $0x1  }
0x2: {  	[smem:$0x3FA0] =	sst lr;
	_ =	strace $0xD0000000  }
0x3: {  	_ = 	snop  }
0x4: {  	_ = 	snop  }
0x5: {  	_ = 	snop  }
0x6: {  	_ = 	snop  }
0x7: {  	_ = 	snop  }
__scs_overlays_trampoline_lowered:
0x8: {  	[smem:$0x3FAF] =	sst s0  }
0x9: {  	[smem:$0x3FB0] =	sst s1  }
0xa: {  	[smem:$0x3FB1] =	sst s2  }
0xb: {  	[smem:$0x3FB2] =	sst s3  }
0xc: {  	[smem:$0x3FB3] =	sst s4  }
0xd: {  	[smem:$0x3FB4] =	sst s5  }
0xe: {  	[smem:$0x3FB5] =	sst s6  }
0xf: {  	[smem:$0x3FB6] =	sst s7  }
0x10: {  	[smem:$0x3FB7] =	sst s8  }
0x11: {  	[smem:$0x3FB8] =	sst s9;
	s0 =	simm.s32 @!p0 $0x0  }
0x12: {  	s1 =	sld [smem:$0x3F9E];
	s0 =	simm.s32 @p0 $0x1  }
0x13: {  	[smem:$0x3FB9] =	sst s0;
	s0 =	simm.s32 @!p1 $0x0  }
0x14: {  	s2 =	sld [smem:$0x3F9D];
	s0 =	simm.s32 @p1 $0x1  }
0x15: {  	[smem:$0x3FBA] =	sst s0;
	s0 =	simm.s32 @!p2 $0x0  }
0x16: {  	s3 =	sld [smem:$0x3FDB];
	s0 =	simm.s32 @p2 $0x1  }
0x17: {  	s4 =	simm.s32 $0x1BF5;
	[smem:$0x3FBC] =	sst s0  }
0x18: {  	s0 =	sld [smem:$0x3F9F];
	_ =	swait.ge [sflag:s4], $0x0  }
0x19: {  	s7 =	sld [smem:$0x3FA0]  }
0x1a: {  	s8 =	sadd.s32 $0xFFFFE003, lr  }
0x1b: {  	s9 =	sadd.s32 $0xFFFFFEF7, lr;
	s5 =	simm.s32 $0xFFFFFFFF;
	p2 =	slt.u32 s8, $0xFFFFF086  }
0x1c: {  	p1 =	slt.u32 s9, $0xF7A;
	s5 =	simm.s32 @!p2 $0x0  }
0x1d: {  	s5 =	simm.s32 @p1 $0x1;
	p0 =	seq.s32 s7, s2  }
0x1e: {  	s7 =	smul.u32 @!p0 $0xF7A, s2;
	p2 =	seq.s32 @!p0 s5, $0x0  }
0x1f: {  	s9 =	smul.u32 $0xF7A, s1;
	s8 =	simm.s32 @!p0 $0x1BF5;
	p2 =	por !p2, p0  }
0x20: {  	[sflag:s8] =	ssyncset.s32 @!p0 $0xFFFFF086;
	s6 =	sadd.s32 @!p0 s3, s7;
	s7 =	simm.s32 @!p0 $0x108  }
0x21: {  	s3 =	sadd.s32 s3, s9;
	s6 =	sadd.s32 @!p0 $0x88, s6;
	s7 =	simm.s32 @p2 $0x1082  }
0x22: {  	[simem:s7], [sflag:s8] =	dma.local @!p0 [hbm:s6], $0xF7A  }
0x23: {  	s9 =	sor.u32 $0xD0000000, s2;
	s6 =	simm.s32 $0x108;
	_ =	swait.ge @!p0 [sflag:s8], $0x0  }
0x24: {  	s3 =	sadd.s32 $0x88, s3;
	s6 =	simm.s32 @!p1 $0x1082;
	[sflag:s4] =	ssyncset.s32 $0xFFFFF086  }
0x25: {  	[simem:s6], [sflag:s4] =	dma.local [hbm:s3], $0xF7A  }
0x26: {  	[smem:$0x3FA0] =	sst s1;
	(tag) =	ssettag s2;
	_ =	strace s9  }
0x27: {  	s1 =	sld [smem:$0x3FB0]  }
0x28: {  	s2 =	sld [smem:$0x3FB1]  }
0x29: {  	s4 =	sld [smem:$0x3FB3]  }
0x2a: {  	p0 =	seq.s32 s5, $0x0;
	s5 =	sld [smem:$0x3FB4]  }
0x2b: {  	s6 =	sld [smem:$0x3FB5]  }
0x2c: {  	s7 =	sld [smem:$0x3FB6]  }
0x2d: {  	s3 =	simm.s32 $0x108;
	s8 =	sld [smem:$0x3FB7]  }
0x2e: {  	s3 =	simm.s32 @!p0 $0x1082;
	s9 =	sld [smem:$0x3FB8]  }
0x2f: {  	lr =	sadd.s32 s0, s3;
	s0 =	sld [smem:$0x3FAF]  }
0x30: {  	s3 =	sld [smem:$0x3FB2]  }
0x31: {  	[smem:$0x3FBB] =	sst s10  }
0x32: {  	s10 =	sld [smem:$0x3FB9];
	_ =	sdelay $0x3  }
0x33: {  	p0 =	seq.s32 s10, $0x1;
	s10 =	sld [smem:$0x3FBB];
	_ =	sdelay $0x3  }
0x34: {  	[smem:$0x3FBB] =	sst s10  }
0x35: {  	s10 =	sld [smem:$0x3FBA];
	_ =	sdelay $0x3  }
0x36: {  	p1 =	seq.s32 s10, $0x1;
	s10 =	sld [smem:$0x3FBB];
	_ =	sdelay $0x3  }
0x37: {  	[smem:$0x3FBB] =	sst s10  }
0x38: {  	s10 =	sld [smem:$0x3FBC]  }
0x39: {  	_ = 	snop;
	(pc) =	sbr.ind lr, $3  }
0x3a: {  	_ = 	snop  }
0x3b: {  	_ = 	snop  }
0x3c: {  	p2 =	seq.s32 s10, $0x1;
	s10 =	sld [smem:$0x3FBB]  }
0x3d: {  	_ =	shalt  }
0x3e: {  	_ =	shalt  }
0x3f: {  	_ =	shalt  }
0x40: {  	_ =	shalt  }
0x41: {  	_ =	shalt  }
0x42: {  	_ =	shalt  }
0x43: {  	_ =	shalt  }
0x44: {  	_ =	shalt  }
0x45: {  	_ =	shalt  }
0x46: {  	_ =	shalt  }
0x47: {  	_ =	shalt  }
0x48: {  	_ =	shalt  }
0x49: {  	_ =	shalt  }
0x4a: {  	_ =	shalt  }
0x4b: {  	_ =	shalt  }
0x4c: {  	_ =	shalt  }
0x4d: {  	_ =	shalt  }
0x4e: {  	_ =	shalt  }
0x4f: {  	_ =	shalt  }
0x50: {  	_ =	shalt  }
0x51: {  	_ =	shalt  }
0x52: {  	_ =	shalt  }
0x53: {  	_ =	shalt  }
0x54: {  	_ =	shalt  }
0x55: {  	_ =	shalt  }
0x56: {  	_ =	shalt  }
0x57: {  	_ =	shalt  }
0x58: {  	_ =	shalt  }
0x59: {  	_ =	shalt  }
0x5a: {  	_ =	shalt  }
0x5b: {  	_ =	shalt  }
0x5c: {  	_ =	shalt  }
0x5d: {  	_ =	shalt  }
0x5e: {  	_ =	shalt  }
0x5f: {  	_ =	shalt  }
0x60: {  	_ =	shalt  }
0x61: {  	_ =	shalt  }
0x62: {  	_ =	shalt  }
0x63: {  	_ =	shalt  }
0x64: {  	_ =	shalt  }
0x65: {  	_ =	shalt  }
0x66: {  	_ =	shalt  }
0x67: {  	_ =	shalt  }
0x68: {  	_ =	shalt  }
0x69: {  	_ =	shalt  }
0x6a: {  	_ =	shalt  }
0x6b: {  	_ =	shalt  }
0x6c: {  	_ =	shalt  }
0x6d: {  	_ =	shalt  }
0x6e: {  	_ =	shalt  }
0x6f: {  	_ =	shalt  }
0x70: {  	_ =	shalt  }
0x71: {  	_ =	shalt  }
0x72: {  	_ =	shalt  }
0x73: {  	_ =	shalt  }
0x74: {  	_ =	shalt  }
0x75: {  	_ =	shalt  }
0x76: {  	_ =	shalt  }
0x77: {  	_ =	shalt  }
0x78: {  	_ =	shalt  }
0x79: {  	_ =	shalt  }
0x7a: {  	_ =	shalt  }
0x7b: {  	_ =	shalt  }
0x7c: {  	_ =	shalt  }
0x7d: {  	_ =	shalt  }
0x7e: {  	_ =	shalt  }
0x7f: {  	_ =	shalt  }
0x80: {  	_ =	shalt  }
0x81: {  	_ =	shalt  }
0x82: {  	_ =	shalt  }
0x83: {  	_ =	shalt  }
0x84: {  	_ =	shalt  }
0x85: {  	_ =	shalt  }
0x86: {  	_ =	shalt  }
0x87: {  	_ =	shalt  }
.Lfunc_end0:
.L_simem_size_0:
called_computation_lowered:
.L_overlay_start_0:
0x88: {  	s2 =	sld [smem:$0x3FD9]  }
0x89: {  	s3 =	sld [smem:$0x3FFE];
	_ =	sdelay $0x1  }
0x8a: {  	s1 =	srdreg.scid  }
0x8b: {  	s0 =	sand.u32 $0x1, s1  }
0x8c: {  	s18 =	sshll.u32 s0, $0xA;
	s2 =	sadd.s32 s3, s2  }
0x8d: {  	s2 =	sadd.s32 s2, s18  }
0x8e: {  	[smem:$0x3FC7] =	sst s2  }
0x8f: {  	_ = 	snop  }
0x90: {  	s2 =	sld [smem:$0x3FC9]  }
0x91: {  	s19 =	sld [smem:$0x3FD0];
	(tm) =	ssettm $0x1  }
0x92: {  	s4 =	sld [smem:$0x3FFB];
	_ =	sdelay $0x3  }
0x93: {  	_ =	strace s4  }
0x94: {  	s4 =	sld [smem:$0x3FFC];
	_ =	sdelay $0x3  }
0x95: {  	_ =	strace s4  }
0x96: {  	s4 =	sld [smem:$0x3FFD];
	_ =	sdelay $0x3  }
0x97: {  	_ =	strace s4  }
0x98: {  	_ =	strace $0x8FFFFFFF  }
0x99: {  	s20 =	sld [smem:$0x3FDB];
	_ =	sdelay $0x1  }
0x9a: {  	s5 =	simm.s32 $_scs_section_size  }
0x9b: {  	s6 =	simm.s32 $_size__tile_overlayer_lowered;
	s7 =	simm.s32 $_tile_overlayer_lowered  }
0x9c: {  	s23 =	simm.s32 $0x1BFF;
	s22 =	sshll.u32 s7, $0x1;
	s4 =	sadd.s32 s5, s20  }
0x9d: {  	s8 =	simm.s32 $0x0;
	s21 =	sshll.u32 s6, $0x1;
	s6 =	sadd.s32 s22, s4  }
0x9e: {  	[timem:s8], [sflag:s23] =	dma.local [hbm:s6], s21  }
0x9f: {  	_ =	swait.ge [sflag:s23], s21  }
0xa0: {  	s5 =	ssub.s32 $0x0, s21;
	[sflag:s23] =	ssyncset.done $0x0  }
0xa1: {  	[sflag:s23] =	ssyncadd.s32 s5;
	_ =	sdelay $0x1  }
0xa2: {  	s24 =	simm.s32 $0x1B8B  }
0xa3: {  	_ =	swait.ge [sflag:s24], $0x1  }
0xa4: {  	[sflag:s24] =	ssyncset.done $0x0  }
0xa5: {  	s25 =	simm.s32 $0x1B8E;
	[sflag:s24] =	ssyncadd.s32 $0xFFFFFFFF  }
0xa6: {  	s26 =	simm.s32 $execute0_lowered;
	[smem:$0x3FD2] =	sst s25  }
0xa7: {  	s5 =	sshll.u32 s26, $0x1;
	_ =	strace $0x80000046;
	[dreg:$0x1] =	wrdreg $0xFFFFFFFF  }
0xa8: {  	s28 =	simm.s32 $_size_execute0_lowered;
	s4 =	sadd.s32 s4, s5;
	[dreg:$0x0] =	wrdreg $0x0  }
0xa9: {  	s5 =	sshll.u32 s28, $0x1;
	[dreg:$0x2] =	wrdreg s4  }
0xaa: {  	[dreg:$0x3] =	wrdreg s5  }
0xab: {  	[dreg:$0x4] =	wrdreg $0xC0  }
0xac: {  	_ =	task [dreg:s8], $0x5FFFF  }
0xad: {  	[dreg:$0x1] =	wrdreg $0xFFFFFFFF  }
0xae: {  	[dreg:$0x0] =	wrdreg $0x60  }
0xaf: {  	[dreg:$0x2] =	wrdreg s2  }
0xb0: {  	[dreg:$0x3] =	wrdreg s19  }
0xb1: {  	[dreg:$0x4] =	wrdreg $0x9  }
0xb2: {  	_ =	task.clear_ibuf [dreg:s8], $0x5FFFF;
	_ =	strace $0x90000046  }
0xb3: {  	s29 =	simm.s32 $0x9;
	_ =	strace $0x80000048  }
0xb4: {  	_ =	swait.ge [sflag:s29], $0x1  }
0xb5: {  	[sflag:s29] =	ssyncadd.s32 $0xFFFFFFFF  }
0xb6: {  	_ =	strace $0x90000048  }
0xb7: {  	_ =	sfence  }
0xb8: {  	s30 =	sld [smem:$0x0];
	_ =	sdelay $0x2  }
0xb9: {  	s31 =	sshll.u32 s1, $0xD;
	s1 =	sshrl.u32 s1, $0x2  }
0xba: {  	s3 =	sand.u32 $0x4000, s31;
	s1 =	sadd.s32 s1, s30  }
0xbb: {  	s0 =	sor.u32 s3, s0;
	s1 =	sshll.u32 s1, $0x11  }
0xbc: {  	s0 =	sor.u32 s1, s0  }
0xbd: {  	s0 =	sadd.s32 $0x8F2B, s0  }
0xbe: {  	[sflag:s0] =	ssyncadd.remote.s32 $0x1  }
0xbf: {  	_ =	sfence.sel $0xFFFF  }
0xc0: {  	[dreg:$0x0] =	wrdreg $0xFFFFFFFF;
	(pc) =	sbr.abs _section_cstart, $3  }
0xc1: {  	[dreg:$0x1] =	wrdreg $0xFFFFFFFF  }
0xc2: {  	_ =	task.clear_ibuf [dreg:s8], $0x2FFFF;
	_ =	strace $0x9FFFFFFF  }
0xc3: {  	(tm) =	ssettm $0x7FFFFFFF  }
tec
execute0_lowered:
.L_overlay_start_1:
0x0: {  	(tag) =	ssettag $0x1  }
0x1: {  	s4 =	rddreg [dreg:$0x0]  }
0x2: {  	s9 =	rddreg [dreg:$0x1]  }
0x3: {  	s0 =	rddreg [dreg:$0x2];
	s3 =	srdreg.scid  }
0x4: {  	s1 =	stileid.u32;
	s2 =	simm.s32 $0x0;
	s16 =	simm.s32 $0x80  }
0x5: {  	s17 =	simm.s32 $0x1000;
	s18 =	simm.s32 $0x2;
	s19 =	simm.s32 $0x0  }
0x6: {  	s3 =	sand.u32 $0x1, s3;
	s5 =	sshll.u32 s1, $0x1;
	[smem:$0x7FF] =	sst s2  }
0x7: {  	s11 =	sadd.s32 $0x10, s9;
	s12 =	sadd.s32 $0x20, s9;
	s14 =	sadd.s32 $0x30, s9  }
0x8: {  	s5 =	sor.u32 s3, s5;
	_ =	strace $0x80000047;
	s3 =	ssub.s32 $0x2, s3  }
0x9: {  	s6 =	sshll.u32 s5, $0x6;
	s7 =	sshrl.u32 s3, $0x1;
	s8 =	sshll.u32 s5, $0xD  }
0xa: {  	s31 =	sshll.u32 s5, $0xF;
	s10 =	sor.u32 $0x20, s6;
	s13 =	ssub.s32 s3, s7  }
0xb: {  	s3 =	sadd.s32 s4, s8;
	s5 =	sadd.s32 s9, s31;
	s7 =	sadd.s32 s31, s12  }
0xc: {  	s8 =	sadd.s32 s31, s14;
	s6 =	sshll.u32 s10, $0x7;
	s15 =	sshll.u32 s10, $0x9  }
0xd: {  	s13 =	smax.u32 s13, $0x1;
	s4 =	sadd.s32 s4, s6;
	s6 =	sadd.s32 s31, s11  }
0xe: {  	s9 =	sadd.s32 s9, s15;
	s10 =	sadd.s32 s15, s11;
	s11 =	sadd.s32 s15, s12  }
0xf: {  	s12 =	sadd.s32 s15, s14;
	s14 =	simm.s32 $0x8000;
	s15 =	simm.s32 $0x1  }
.LBB2_1:
0x10: {  	[tilespmem:s2], [sflag:$0x1] =	stream.linear.gather [hbm4b:s3+s2], $0x8000, $0x38;
	[tilespmem:$0x10000] =	vst v63  }
0x11: {  	_ = 	snop  }
0x12: {  	[tilespmem:s14], [sflag:$0x1] =	stream.linear.gather [hbm4b:s4+s2], $0x8000, $0x38;
	[tilespmem:$0x10000] =	vst v63  }
0x13: {  	_ =	swait.ge [sflag:s15], $0x8000  }
0x14: {  	[sflag:s15] =	ssyncset.done $0x0  }
0x15: {  	s20 =	simm.s32 $0x0;
	[sflag:s15] =	ssyncadd.s32 $0xFFFF8000  }
0x16: {  	[hbm4b:s5+s16] =	stream.strided.scatter [tilespmem:s20], [sflag:$0x2], $0x400, s17, s16, $0x38;
	[tilespmem:$0x10000] =	vst v63  }
0x17: {  	s31 =	simm.s32 $0x400;
	s21 =	sadd.s32 $0x40, s5  }
0x18: {  	[hbm4b:s21+s16] =	stream.strided.scatter [tilespmem:s31], [sflag:$0x2], $0x400, s17, s16, $0x38;
	[tilespmem:$0x10000] =	vst v63  }
0x19: {  	s22 =	sadd.s32 $0x80, s5;
	s21 =	simm.s32 $0x800  }
0x1a: {  	[hbm4b:s22+s16] =	stream.strided.scatter [tilespmem:s21], [sflag:$0x2], $0x400, s17, s16, $0x38;
	[tilespmem:$0x10000] =	vst v63  }
0x1b: {  	s23 =	simm.s32 $0xC00;
	s24 =	sadd.s32 $0xC0, s5;
	s25 =	simm.s32 $0x1000  }
0x1c: {  	[hbm4b:s24+s16] =	stream.strided.scatter [tilespmem:s23], [sflag:$0x2], $0x400, s17, s16, $0x38;
	[tilespmem:$0x10000] =	vst v63  }
0x1d: {  	s26 =	sadd.s32 $0x100, s5;
	s28 =	simm.s32 $0x1400;
	s29 =	sadd.s32 $0x140, s5  }
0x1e: {  	[hbm4b:s26+s16] =	stream.strided.scatter [tilespmem:s25], [sflag:$0x2], $0x400, s17, s16, $0x38;
	[tilespmem:$0x10000] =	vst v63  }
0x1f: {  	s30 =	simm.s32 $0x1800;
	s20 =	simm.s32 $0x8000;
	s31 =	sadd.s32 $0x180, s5  }
0x20: {  	[hbm4b:s29+s16] =	stream.strided.scatter [tilespmem:s28], [sflag:$0x2], $0x400, s17, s16, $0x38;
	[tilespmem:$0x10000] =	vst v63  }
0x21: {  	s22 =	simm.s32 $0x1C00;
	s21 =	sadd.s32 $0x1000, s5;
	s23 =	sadd.s32 $0x1C0, s5  }
0x22: {  	[hbm4b:s31+s16] =	stream.strided.scatter [tilespmem:s30], [sflag:$0x2], $0x400, s17, s16, $0x38;
	[tilespmem:$0x10000] =	vst v63  }
.LBB2_2:
0x23: {  	[hbm4b:s23+s16] =	stream.strided.scatter [tilespmem:s22], [sflag:$0x2], $0x400, s17, s16, $0x38;
	[tilespmem:$0x10000] =	vst v63  }
0x24: {  	s22 =	sshra.s32 s20, $0x2;
	p0 =	sne.s32 s20, $0x18000;
	s20 =	sadd.s32 $0x8000, s20  }
0x25: {  	[hbm4b:s21+s16] =	stream.strided.scatter [tilespmem:s22], [sflag:$0x2], $0x400, s17, s16, $0x38;
	[tilespmem:$0x10000] =	vst v63  }
0x26: {  	s24 =	sadd.s32 $0x40, s21;
	s23 =	sadd.s32 $0x400, s22  }
0x27: {  	[hbm4b:s24+s16] =	stream.strided.scatter [tilespmem:s23], [sflag:$0x2], $0x400, s17, s16, $0x38;
	[tilespmem:$0x10000] =	vst v63  }
0x28: {  	s23 =	sadd.s32 $0x800, s22;
	s24 =	sadd.s32 $0x80, s21  }
0x29: {  	[hbm4b:s24+s16] =	stream.strided.scatter [tilespmem:s23], [sflag:$0x2], $0x400, s17, s16, $0x38;
	[tilespmem:$0x10000] =	vst v63  }
0x2a: {  	s23 =	sadd.s32 $0xC00, s22;
	s24 =	sadd.s32 $0xC0, s21  }
0x2b: {  	[hbm4b:s24+s16] =	stream.strided.scatter [tilespmem:s23], [sflag:$0x2], $0x400, s17, s16, $0x38;
	[tilespmem:$0x10000] =	vst v63  }
0x2c: {  	s23 =	sadd.s32 $0x1000, s22;
	s24 =	sadd.s32 $0x100, s21  }
0x2d: {  	[hbm4b:s24+s16] =	stream.strided.scatter [tilespmem:s23], [sflag:$0x2], $0x400, s17, s16, $0x38;
	[tilespmem:$0x10000] =	vst v63  }
.Ltmp0:
0x2e: {  	s23 =	sadd.s32 $0x1400, s22;
	s24 =	sadd.s32 $0x140, s21;
	(pc) =	sbr.rel @p0 .LBB2_2-.Ltmp0, $4  }
0x2f: {  	[hbm4b:s24+s16] =	stream.strided.scatter [tilespmem:s23], [sflag:$0x2], $0x400, s17, s16, $0x38;
	[tilespmem:$0x10000] =	vst v63  }
0x30: {  	s23 =	sadd.s32 $0x1800, s22;
	s24 =	sadd.s32 $0x180, s21  }
0x31: {  	[hbm4b:s24+s16] =	stream.strided.scatter [tilespmem:s23], [sflag:$0x2], $0x400, s17, s16, $0x38;
	[tilespmem:$0x10000] =	vst v63  }
0x32: {  	s22 =	sadd.s32 $0x1C00, s22;
	s23 =	sadd.s32 $0x1C0, s21;
	s21 =	sadd.s32 $0x1000, s21  }
0x33: {  	[hbm4b:s23+s16] =	stream.strided.scatter [tilespmem:s22], [sflag:$0x2], $0x400, s17, s16, $0x38;
	[tilespmem:$0x10000] =	vst v63  }
0x34: {  	s20 =	simm.s32 $0x0  }
0x35: {  	[hbm4b:s6+s16] =	stream.strided.scatter [tilespmem:s20], [sflag:$0x2], $0x400, s17, s16, $0x38;
	[tilespmem:$0x10000] =	vst v63  }
0x36: {  	s31 =	simm.s32 $0x400;
	s21 =	sadd.s32 $0x40, s6  }
0x37: {  	[hbm4b:s21+s16] =	stream.strided.scatter [tilespmem:s31], [sflag:$0x2], $0x400, s17, s16, $0x38;
	[tilespmem:$0x10000] =	vst v63  }
0x38: {  	s22 =	sadd.s32 $0x80, s6;
	s21 =	simm.s32 $0x800  }
0x39: {  	[hbm4b:s22+s16] =	stream.strided.scatter [tilespmem:s21], [sflag:$0x2], $0x400, s17, s16, $0x38;
	[tilespmem:$0x10000] =	vst v63  }
0x3a: {  	s23 =	simm.s32 $0xC00;
	s24 =	sadd.s32 $0xC0, s6;
	s25 =	simm.s32 $0x1000  }
0x3b: {  	[hbm4b:s24+s16] =	stream.strided.scatter [tilespmem:s23], [sflag:$0x2], $0x400, s17, s16, $0x38;
	[tilespmem:$0x10000] =	vst v63  }
0x3c: {  	s26 =	sadd.s32 $0x100, s6;
	s28 =	simm.s32 $0x1400;
	s29 =	sadd.s32 $0x140, s6  }
0x3d: {  	[hbm4b:s26+s16] =	stream.strided.scatter [tilespmem:s25], [sflag:$0x2], $0x400, s17, s16, $0x38;
	[tilespmem:$0x10000] =	vst v63  }
0x3e: {  	s30 =	simm.s32 $0x1800;
	s20 =	simm.s32 $0x8000;
	s31 =	sadd.s32 $0x180, s6  }
0x3f: {  	[hbm4b:s29+s16] =	stream.strided.scatter [tilespmem:s28], [sflag:$0x2], $0x400, s17, s16, $0x38;
	[tilespmem:$0x10000] =	vst v63  }
0x40: {  	s22 =	simm.s32 $0x1C00;
	s21 =	sadd.s32 $0x1000, s6;
	s23 =	sadd.s32 $0x1C0, s6  }
0x41: {  	[hbm4b:s31+s16] =	stream.strided.scatter [tilespmem:s30], [sflag:$0x2], $0x400, s17, s16, $0x38;
	[tilespmem:$0x10000] =	vst v63  }
.LBB2_4:
0x42: {  	[hbm4b:s23+s16] =	stream.strided.scatter [tilespmem:s22], [sflag:$0x2], $0x400, s17, s16, $0x38;
	[tilespmem:$0x10000] =	vst v63  }
0x43: {  	s22 =	sshra.s32 s20, $0x2;
	p0 =	sne.s32 s20, $0x18000;
	s20 =	sadd.s32 $0x8000, s20  }
0x44: {  	[hbm4b:s21+s16] =	stream.strided.scatter [tilespmem:s22], [sflag:$0x2], $0x400, s17, s16, $0x38;
	[tilespmem:$0x10000] =	vst v63  }
0x45: {  	s24 =	sadd.s32 $0x40, s21;
	s23 =	sadd.s32 $0x400, s22  }
0x46: {  	[hbm4b:s24+s16] =	stream.strided.scatter [tilespmem:s23], [sflag:$0x2], $0x400, s17, s16, $0x38;
	[tilespmem:$0x10000] =	vst v63  }
0x47: {  	s23 =	sadd.s32 $0x800, s22;
	s24 =	sadd.s32 $0x80, s21  }
0x48: {  	[hbm4b:s24+s16] =	stream.strided.scatter [tilespmem:s23], [sflag:$0x2], $0x400, s17, s16, $0x38;
	[tilespmem:$0x10000] =	vst v63  }
0x49: {  	s23 =	sadd.s32 $0xC00, s22;
	s24 =	sadd.s32 $0xC0, s21  }
0x4a: {  	[hbm4b:s24+s16] =	stream.strided.scatter [tilespmem:s23], [sflag:$0x2], $0x400, s17, s16, $0x38;
	[tilespmem:$0x10000] =	vst v63  }
0x4b: {  	s23 =	sadd.s32 $0x1000, s22;
	s24 =	sadd.s32 $0x100, s21  }
0x4c: {  	[hbm4b:s24+s16] =	stream.strided.scatter [tilespmem:s23], [sflag:$0x2], $0x400, s17, s16, $0x38;
	[tilespmem:$0x10000] =	vst v63  }
.Ltmp1:
0x4d: {  	s23 =	sadd.s32 $0x1400, s22;
	s24 =	sadd.s32 $0x140, s21;
	(pc) =	sbr.rel @p0 .LBB2_4-.Ltmp1, $4  }
0x4e: {  	[hbm4b:s24+s16] =	stream.strided.scatter [tilespmem:s23], [sflag:$0x2], $0x400, s17, s16, $0x38;
	[tilespmem:$0x10000] =	vst v63  }
0x4f: {  	s23 =	sadd.s32 $0x1800, s22;
	s24 =	sadd.s32 $0x180, s21  }
0x50: {  	[hbm4b:s24+s16] =	stream.strided.scatter [tilespmem:s23], [sflag:$0x2], $0x400, s17, s16, $0x38;
	[tilespmem:$0x10000] =	vst v63  }
0x51: {  	s22 =	sadd.s32 $0x1C00, s22;
	s23 =	sadd.s32 $0x1C0, s21;
	s21 =	sadd.s32 $0x1000, s21  }
0x52: {  	[hbm4b:s23+s16] =	stream.strided.scatter [tilespmem:s22], [sflag:$0x2], $0x400, s17, s16, $0x38;
	[tilespmem:$0x10000] =	vst v63  }
0x53: {  	s20 =	simm.s32 $0x0  }
0x54: {  	[hbm4b:s7+s16] =	stream.strided.scatter [tilespmem:s20], [sflag:$0x2], $0x400, s17, s16, $0x38;
	[tilespmem:$0x10000] =	vst v63  }
0x55: {  	s31 =	simm.s32 $0x400;
	s21 =	sadd.s32 $0x40, s7  }
0x56: {  	[hbm4b:s21+s16] =	stream.strided.scatter [tilespmem:s31], [sflag:$0x2], $0x400, s17, s16, $0x38;
	[tilespmem:$0x10000] =	vst v63  }
0x57: {  	s22 =	sadd.s32 $0x80, s7;
	s21 =	simm.s32 $0x800  }
0x58: {  	[hbm4b:s22+s16] =	stream.strided.scatter [tilespmem:s21], [sflag:$0x2], $0x400, s17, s16, $0x38;
	[tilespmem:$0x10000] =	vst v63  }
0x59: {  	s23 =	simm.s32 $0xC00;
	s24 =	sadd.s32 $0xC0, s7;
	s25 =	simm.s32 $0x1000  }
0x5a: {  	[hbm4b:s24+s16] =	stream.strided.scatter [tilespmem:s23], [sflag:$0x2], $0x400, s17, s16, $0x38;
	[tilespmem:$0x10000] =	vst v63  }
0x5b: {  	s26 =	sadd.s32 $0x100, s7;
	s28 =	simm.s32 $0x1400;
	s29 =	sadd.s32 $0x140, s7  }
0x5c: {  	[hbm4b:s26+s16] =	stream.strided.scatter [tilespmem:s25], [sflag:$0x2], $0x400, s17, s16, $0x38;
	[tilespmem:$0x10000] =	vst v63  }
0x5d: {  	s30 =	simm.s32 $0x1800;
	s20 =	simm.s32 $0x8000;
	s31 =	sadd.s32 $0x180, s7  }
0x5e: {  	[hbm4b:s29+s16] =	stream.strided.scatter [tilespmem:s28], [sflag:$0x2], $0x400, s17, s16, $0x38;
	[tilespmem:$0x10000] =	vst v63  }
0x5f: {  	s22 =	simm.s32 $0x1C00;
	s21 =	sadd.s32 $0x1000, s7;
	s23 =	sadd.s32 $0x1C0, s7  }
0x60: {  	[hbm4b:s31+s16] =	stream.strided.scatter [tilespmem:s30], [sflag:$0x2], $0x400, s17, s16, $0x38;
	[tilespmem:$0x10000] =	vst v63  }
.LBB2_6:
0x61: {  	[hbm4b:s23+s16] =	stream.strided.scatter [tilespmem:s22], [sflag:$0x2], $0x400, s17, s16, $0x38;
	[tilespmem:$0x10000] =	vst v63  }
0x62: {  	s22 =	sshra.s32 s20, $0x2;
	p0 =	sne.s32 s20, $0x18000;
	s20 =	sadd.s32 $0x8000, s20  }
0x63: {  	[hbm4b:s21+s16] =	stream.strided.scatter [tilespmem:s22], [sflag:$0x2], $0x400, s17, s16, $0x38;
	[tilespmem:$0x10000] =	vst v63  }
0x64: {  	s24 =	sadd.s32 $0x40, s21;
	s23 =	sadd.s32 $0x400, s22  }
0x65: {  	[hbm4b:s24+s16] =	stream.strided.scatter [tilespmem:s23], [sflag:$0x2], $0x400, s17, s16, $0x38;
	[tilespmem:$0x10000] =	vst v63  }
0x66: {  	s23 =	sadd.s32 $0x800, s22;
	s24 =	sadd.s32 $0x80, s21  }
0x67: {  	[hbm4b:s24+s16] =	stream.strided.scatter [tilespmem:s23], [sflag:$0x2], $0x400, s17, s16, $0x38;
	[tilespmem:$0x10000] =	vst v63  }
0x68: {  	s23 =	sadd.s32 $0xC00, s22;
	s24 =	sadd.s32 $0xC0, s21  }
0x69: {  	[hbm4b:s24+s16] =	stream.strided.scatter [tilespmem:s23], [sflag:$0x2], $0x400, s17, s16, $0x38;
	[tilespmem:$0x10000] =	vst v63  }
0x6a: {  	s23 =	sadd.s32 $0x1000, s22;
	s24 =	sadd.s32 $0x100, s21  }
0x6b: {  	[hbm4b:s24+s16] =	stream.strided.scatter [tilespmem:s23], [sflag:$0x2], $0x400, s17, s16, $0x38;
	[tilespmem:$0x10000] =	vst v63  }
.Ltmp2:
0x6c: {  	s23 =	sadd.s32 $0x1400, s22;
	s24 =	sadd.s32 $0x140, s21;
	(pc) =	sbr.rel @p0 .LBB2_6-.Ltmp2, $4  }
0x6d: {  	[hbm4b:s24+s16] =	stream.strided.scatter [tilespmem:s23], [sflag:$0x2], $0x400, s17, s16, $0x38;
	[tilespmem:$0x10000] =	vst v63  }
0x6e: {  	s23 =	sadd.s32 $0x1800, s22;
	s24 =	sadd.s32 $0x180, s21  }
0x6f: {  	[hbm4b:s24+s16] =	stream.strided.scatter [tilespmem:s23], [sflag:$0x2], $0x400, s17, s16, $0x38;
	[tilespmem:$0x10000] =	vst v63  }
0x70: {  	s22 =	sadd.s32 $0x1C00, s22;
	s23 =	sadd.s32 $0x1C0, s21;
	s21 =	sadd.s32 $0x1000, s21  }
0x71: {  	[hbm4b:s23+s16] =	stream.strided.scatter [tilespmem:s22], [sflag:$0x2], $0x400, s17, s16, $0x38;
	[tilespmem:$0x10000] =	vst v63  }
0x72: {  	s20 =	simm.s32 $0x0  }
0x73: {  	[hbm4b:s8+s16] =	stream.strided.scatter [tilespmem:s20], [sflag:$0x2], $0x400, s17, s16, $0x38;
	[tilespmem:$0x10000] =	vst v63  }
0x74: {  	s31 =	simm.s32 $0x400;
	s21 =	sadd.s32 $0x40, s8  }
0x75: {  	[hbm4b:s21+s16] =	stream.strided.scatter [tilespmem:s31], [sflag:$0x2], $0x400, s17, s16, $0x38;
	[tilespmem:$0x10000] =	vst v63  }
0x76: {  	s22 =	sadd.s32 $0x80, s8;
	s21 =	simm.s32 $0x800  }
0x77: {  	[hbm4b:s22+s16] =	stream.strided.scatter [tilespmem:s21], [sflag:$0x2], $0x400, s17, s16, $0x38;
	[tilespmem:$0x10000] =	vst v63  }
0x78: {  	s23 =	simm.s32 $0xC00;
	s24 =	sadd.s32 $0xC0, s8;
	s25 =	simm.s32 $0x1000  }
0x79: {  	[hbm4b:s24+s16] =	stream.strided.scatter [tilespmem:s23], [sflag:$0x2], $0x400, s17, s16, $0x38;
	[tilespmem:$0x10000] =	vst v63  }
0x7a: {  	s26 =	sadd.s32 $0x100, s8;
	s28 =	simm.s32 $0x1400;
	s29 =	sadd.s32 $0x140, s8  }
0x7b: {  	[hbm4b:s26+s16] =	stream.strided.scatter [tilespmem:s25], [sflag:$0x2], $0x400, s17, s16, $0x38;
	[tilespmem:$0x10000] =	vst v63  }
0x7c: {  	s30 =	simm.s32 $0x1800;
	s20 =	simm.s32 $0x8000;
	s31 =	sadd.s32 $0x180, s8  }
0x7d: {  	[hbm4b:s29+s16] =	stream.strided.scatter [tilespmem:s28], [sflag:$0x2], $0x400, s17, s16, $0x38;
	[tilespmem:$0x10000] =	vst v63  }
0x7e: {  	s22 =	simm.s32 $0x1C00;
	s21 =	sadd.s32 $0x1000, s8;
	s23 =	sadd.s32 $0x1C0, s8  }
0x7f: {  	[hbm4b:s31+s16] =	stream.strided.scatter [tilespmem:s30], [sflag:$0x2], $0x400, s17, s16, $0x38;
	[tilespmem:$0x10000] =	vst v63  }
.LBB2_8:
0x80: {  	[hbm4b:s23+s16] =	stream.strided.scatter [tilespmem:s22], [sflag:$0x2], $0x400, s17, s16, $0x38;
	[tilespmem:$0x10000] =	vst v63  }
0x81: {  	s22 =	sshra.s32 s20, $0x2;
	p0 =	sne.s32 s20, $0x18000;
	s20 =	sadd.s32 $0x8000, s20  }
0x82: {  	[hbm4b:s21+s16] =	stream.strided.scatter [tilespmem:s22], [sflag:$0x2], $0x400, s17, s16, $0x38;
	[tilespmem:$0x10000] =	vst v63  }
0x83: {  	s24 =	sadd.s32 $0x40, s21;
	s23 =	sadd.s32 $0x400, s22  }
0x84: {  	[hbm4b:s24+s16] =	stream.strided.scatter [tilespmem:s23], [sflag:$0x2], $0x400, s17, s16, $0x38;
	[tilespmem:$0x10000] =	vst v63  }
0x85: {  	s23 =	sadd.s32 $0x800, s22;
	s24 =	sadd.s32 $0x80, s21  }
0x86: {  	[hbm4b:s24+s16] =	stream.strided.scatter [tilespmem:s23], [sflag:$0x2], $0x400, s17, s16, $0x38;
	[tilespmem:$0x10000] =	vst v63  }
0x87: {  	s23 =	sadd.s32 $0xC00, s22;
	s24 =	sadd.s32 $0xC0, s21  }
0x88: {  	[hbm4b:s24+s16] =	stream.strided.scatter [tilespmem:s23], [sflag:$0x2], $0x400, s17, s16, $0x38;
	[tilespmem:$0x10000] =	vst v63  }
0x89: {  	s23 =	sadd.s32 $0x1000, s22;
	s24 =	sadd.s32 $0x100, s21  }
0x8a: {  	[hbm4b:s24+s16] =	stream.strided.scatter [tilespmem:s23], [sflag:$0x2], $0x400, s17, s16, $0x38;
	[tilespmem:$0x10000] =	vst v63  }
.Ltmp3:
0x8b: {  	s23 =	sadd.s32 $0x1400, s22;
	s24 =	sadd.s32 $0x140, s21;
	(pc) =	sbr.rel @p0 .LBB2_8-.Ltmp3, $4  }
0x8c: {  	[hbm4b:s24+s16] =	stream.strided.scatter [tilespmem:s23], [sflag:$0x2], $0x400, s17, s16, $0x38;
	[tilespmem:$0x10000] =	vst v63  }
0x8d: {  	s23 =	sadd.s32 $0x1800, s22;
	s24 =	sadd.s32 $0x180, s21  }
0x8e: {  	[hbm4b:s24+s16] =	stream.strided.scatter [tilespmem:s23], [sflag:$0x2], $0x400, s17, s16, $0x38;
	[tilespmem:$0x10000] =	vst v63  }
0x8f: {  	s22 =	sadd.s32 $0x1C00, s22;
	s23 =	sadd.s32 $0x1C0, s21;
	s21 =	sadd.s32 $0x1000, s21  }
0x90: {  	[hbm4b:s23+s16] =	stream.strided.scatter [tilespmem:s22], [sflag:$0x2], $0x400, s17, s16, $0x38;
	[tilespmem:$0x10000] =	vst v63  }
0x91: {  	_ =	swait.ge [sflag:s15], $0x8000  }
0x92: {  	[sflag:s15] =	ssyncset.done $0x0  }
0x93: {  	s20 =	simm.s32 $0x8000;
	[sflag:s15] =	ssyncadd.s32 $0xFFFF8000  }
0x94: {  	[hbm4b:s9+s16] =	stream.strided.scatter [tilespmem:s20], [sflag:$0x2], $0x400, s17, s16, $0x38;
	[tilespmem:$0x10000] =	vst v63  }
0x95: {  	s31 =	simm.s32 $0x8400;
	s21 =	sadd.s32 $0x40, s9  }
0x96: {  	[hbm4b:s21+s16] =	stream.strided.scatter [tilespmem:s31], [sflag:$0x2], $0x400, s17, s16, $0x38;
	[tilespmem:$0x10000] =	vst v63  }
0x97: {  	s22 =	sadd.s32 $0x80, s9;
	s23 =	simm.s32 $0x8C00;
	s21 =	simm.s32 $0x8800  }
0x98: {  	[hbm4b:s22+s16] =	stream.strided.scatter [tilespmem:s21], [sflag:$0x2], $0x400, s17, s16, $0x38;
	[tilespmem:$0x10000] =	vst v63  }
0x99: {  	s24 =	sadd.s32 $0xC0, s9;
	s25 =	simm.s32 $0x9000;
	s26 =	sadd.s32 $0x100, s9  }
0x9a: {  	[hbm4b:s24+s16] =	stream.strided.scatter [tilespmem:s23], [sflag:$0x2], $0x400, s17, s16, $0x38;
	[tilespmem:$0x10000] =	vst v63  }
0x9b: {  	s28 =	simm.s32 $0x9400;
	s29 =	sadd.s32 $0x140, s9;
	s30 =	simm.s32 $0x9800  }
0x9c: {  	[hbm4b:s26+s16] =	stream.strided.scatter [tilespmem:s25], [sflag:$0x2], $0x400, s17, s16, $0x38;
	[tilespmem:$0x10000] =	vst v63  }
0x9d: {  	s20 =	simm.s32 $0x2000;
	s31 =	sadd.s32 $0x180, s9;
	s22 =	simm.s32 $0x10000  }
0x9e: {  	[hbm4b:s29+s16] =	stream.strided.scatter [tilespmem:s28], [sflag:$0x2], $0x400, s17, s16, $0x38;
	[tilespmem:$0x10000] =	vst v63  }
0x9f: {  	s21 =	sadd.s32 $0x1000, s9;
	s23 =	simm.s32 $0x9C00;
	s24 =	sadd.s32 $0x1C0, s9  }
0xa0: {  	[hbm4b:s31+s16] =	stream.strided.scatter [tilespmem:s30], [sflag:$0x2], $0x400, s17, s16, $0x38;
	[tilespmem:$0x10000] =	vst v63  }
.LBB2_10:
0xa1: {  	[hbm4b:s24+s16] =	stream.strided.scatter [tilespmem:s23], [sflag:$0x2], $0x400, s17, s16, $0x38;
	[tilespmem:$0x10000] =	vst v63  }
0xa2: {  	s23 =	smov.u32 s20;
	s20 =	smov.u32 s22  }
0xa3: {  	s25 =	sadd.s32 $0x8000, s22;
	s20 =	sshra.s32 s20, $0x2;
	s24 =	sadd.s32 $0x8000, s23  }
0xa4: {  	[hbm4b:s21+s16] =	stream.strided.scatter [tilespmem:s24], [sflag:$0x2], $0x400, s17, s16, $0x38;
	[tilespmem:$0x10000] =	vst v63  }
0xa5: {  	p0 =	sne.s32 s22, $0x18000;
	s22 =	sadd.s32 $0x8400, s23;
	s24 =	sadd.s32 $0x40, s21  }
0xa6: {  	[hbm4b:s24+s16] =	stream.strided.scatter [tilespmem:s22], [sflag:$0x2], $0x400, s17, s16, $0x38;
	[tilespmem:$0x10000] =	vst v63  }
0xa7: {  	s22 =	sadd.s32 $0x8800, s23;
	s24 =	sadd.s32 $0x80, s21  }
0xa8: {  	[hbm4b:s24+s16] =	stream.strided.scatter [tilespmem:s22], [sflag:$0x2], $0x400, s17, s16, $0x38;
	[tilespmem:$0x10000] =	vst v63  }
0xa9: {  	s22 =	sadd.s32 $0x8C00, s23;
	s24 =	sadd.s32 $0xC0, s21  }
0xaa: {  	[hbm4b:s24+s16] =	stream.strided.scatter [tilespmem:s22], [sflag:$0x2], $0x400, s17, s16, $0x38;
	[tilespmem:$0x10000] =	vst v63  }
0xab: {  	s22 =	sadd.s32 $0x9000, s23;
	s24 =	sadd.s32 $0x100, s21  }
0xac: {  	[hbm4b:s24+s16] =	stream.strided.scatter [tilespmem:s22], [sflag:$0x2], $0x400, s17, s16, $0x38;
	[tilespmem:$0x10000] =	vst v63  }
.Ltmp4:
0xad: {  	s22 =	sadd.s32 $0x9400, s23;
	s24 =	sadd.s32 $0x140, s21;
	(pc) =	sbr.rel @p0 .LBB2_10-.Ltmp4, $4  }
0xae: {  	[hbm4b:s24+s16] =	stream.strided.scatter [tilespmem:s22], [sflag:$0x2], $0x400, s17, s16, $0x38;
	[tilespmem:$0x10000] =	vst v63  }
0xaf: {  	s22 =	sadd.s32 $0x9800, s23;
	s24 =	sadd.s32 $0x180, s21;
	s23 =	sadd.s32 $0x9C00, s23  }
0xb0: {  	[hbm4b:s24+s16] =	stream.strided.scatter [tilespmem:s22], [sflag:$0x2], $0x400, s17, s16, $0x38;
	[tilespmem:$0x10000] =	vst v63  }
0xb1: {  	s24 =	sadd.s32 $0x1C0, s21;
	s21 =	sadd.s32 $0x1000, s21;
	s22 =	smov.u32 s25  }
0xb2: {  	[hbm4b:s24+s16] =	stream.strided.scatter [tilespmem:s23], [sflag:$0x2], $0x400, s17, s16, $0x38;
	[tilespmem:$0x10000] =	vst v63  }
0xb3: {  	s22 =	sadd.s32 $0x8000, s20  }
0xb4: {  	[hbm4b:s21+s16] =	stream.strided.scatter [tilespmem:s22], [sflag:$0x2], $0x400, s17, s16, $0x38;
	[tilespmem:$0x10000] =	vst v63  }
0xb5: {  	s30 =	sadd.s32 $0x8400, s20;
	s31 =	sadd.s32 $0x40, s21  }
0xb6: {  	[hbm4b:s31+s16] =	stream.strided.scatter [tilespmem:s30], [sflag:$0x2], $0x400, s17, s16, $0x38;
	[tilespmem:$0x10000] =	vst v63  }
0xb7: {  	s23 =	sadd.s32 $0x8800, s20;
	s24 =	sadd.s32 $0x80, s21  }
0xb8: {  	[hbm4b:s24+s16] =	stream.strided.scatter [tilespmem:s23], [sflag:$0x2], $0x400, s17, s16, $0x38;
	[tilespmem:$0x10000] =	vst v63  }
0xb9: {  	s25 =	sadd.s32 $0x8C00, s20;
	s26 =	sadd.s32 $0xC0, s21  }
0xba: {  	[hbm4b:s26+s16] =	stream.strided.scatter [tilespmem:s25], [sflag:$0x2], $0x400, s17, s16, $0x38;
	[tilespmem:$0x10000] =	vst v63  }
0xbb: {  	s28 =	sadd.s32 $0x9000, s20;
	s29 =	sadd.s32 $0x100, s21  }
0xbc: {  	[hbm4b:s29+s16] =	stream.strided.scatter [tilespmem:s28], [sflag:$0x2], $0x400, s17, s16, $0x38;
	[tilespmem:$0x10000] =	vst v63  }
0xbd: {  	s30 =	sadd.s32 $0x9400, s20;
	s31 =	sadd.s32 $0x140, s21  }
0xbe: {  	[hbm4b:s31+s16] =	stream.strided.scatter [tilespmem:s30], [sflag:$0x2], $0x400, s17, s16, $0x38;
	[tilespmem:$0x10000] =	vst v63  }
0xbf: {  	s24 =	sadd.s32 $0x9800, s20;
	s25 =	sadd.s32 $0x180, s21  }
0xc0: {  	[hbm4b:s25+s16] =	stream.strided.scatter [tilespmem:s24], [sflag:$0x2], $0x400, s17, s16, $0x38;
	[tilespmem:$0x10000] =	vst v63  }
0xc1: {  	s26 =	sadd.s32 $0x9C00, s20;
	s28 =	sadd.s32 $0x1C0, s21  }
0xc2: {  	[hbm4b:s28+s16] =	stream.strided.scatter [tilespmem:s26], [sflag:$0x2], $0x400, s17, s16, $0x38;
	[tilespmem:$0x10000] =	vst v63  }
0xc3: {  	s29 =	simm.s32 $0x8000  }
0xc4: {  	[hbm4b:s10+s16] =	stream.strided.scatter [tilespmem:s29], [sflag:$0x2], $0x400, s17, s16, $0x38;
	[tilespmem:$0x10000] =	vst v63  }
0xc5: {  	s30 =	simm.s32 $0x8400;
	s31 =	sadd.s32 $0x40, s10  }
0xc6: {  	[hbm4b:s31+s16] =	stream.strided.scatter [tilespmem:s30], [sflag:$0x2], $0x400, s17, s16, $0x38;
	[tilespmem:$0x10000] =	vst v63  }
0xc7: {  	s22 =	sadd.s32 $0x80, s10;
	s23 =	simm.s32 $0x8C00;
	s21 =	simm.s32 $0x8800  }
0xc8: {  	[hbm4b:s22+s16] =	stream.strided.scatter [tilespmem:s21], [sflag:$0x2], $0x400, s17, s16, $0x38;
	[tilespmem:$0x10000] =	vst v63  }
0xc9: {  	s20 =	simm.s32 $0x2000;
	s24 =	sadd.s32 $0xC0, s10;
	s25 =	simm.s32 $0x9000  }
0xca: {  	[hbm4b:s24+s16] =	stream.strided.scatter [tilespmem:s23], [sflag:$0x2], $0x400, s17, s16, $0x38;
	[tilespmem:$0x10000] =	vst v63  }
0xcb: {  	s26 =	sadd.s32 $0x100, s10;
	s28 =	simm.s32 $0x9400;
	s29 =	sadd.s32 $0x140, s10  }
0xcc: {  	[hbm4b:s26+s16] =	stream.strided.scatter [tilespmem:s25], [sflag:$0x2], $0x400, s17, s16, $0x38;
	[tilespmem:$0x10000] =	vst v63  }
0xcd: {  	s30 =	simm.s32 $0x9800;
	s31 =	sadd.s32 $0x180, s10;
	s22 =	simm.s32 $0x10000  }
0xce: {  	[hbm4b:s29+s16] =	stream.strided.scatter [tilespmem:s28], [sflag:$0x2], $0x400, s17, s16, $0x38;
	[tilespmem:$0x10000] =	vst v63  }
0xcf: {  	s21 =	sadd.s32 $0x1000, s10;
	s23 =	simm.s32 $0x9C00;
	s24 =	sadd.s32 $0x1C0, s10  }
0xd0: {  	[hbm4b:s31+s16] =	stream.strided.scatter [tilespmem:s30], [sflag:$0x2], $0x400, s17, s16, $0x38;
	[tilespmem:$0x10000] =	vst v63  }
.LBB2_12:
0xd1: {  	[hbm4b:s24+s16] =	stream.strided.scatter [tilespmem:s23], [sflag:$0x2], $0x400, s17, s16, $0x38;
	[tilespmem:$0x10000] =	vst v63  }
0xd2: {  	s23 =	smov.u32 s20;
	s20 =	smov.u32 s22  }
0xd3: {  	s25 =	sadd.s32 $0x8000, s22;
	s20 =	sshra.s32 s20, $0x2;
	s24 =	sadd.s32 $0x8000, s23  }
0xd4: {  	[hbm4b:s21+s16] =	stream.strided.scatter [tilespmem:s24], [sflag:$0x2], $0x400, s17, s16, $0x38;
	[tilespmem:$0x10000] =	vst v63  }
0xd5: {  	p0 =	sne.s32 s22, $0x18000;
	s22 =	sadd.s32 $0x8400, s23;
	s24 =	sadd.s32 $0x40, s21  }
0xd6: {  	[hbm4b:s24+s16] =	stream.strided.scatter [tilespmem:s22], [sflag:$0x2], $0x400, s17, s16, $0x38;
	[tilespmem:$0x10000] =	vst v63  }
0xd7: {  	s22 =	sadd.s32 $0x8800, s23;
	s24 =	sadd.s32 $0x80, s21  }
0xd8: {  	[hbm4b:s24+s16] =	stream.strided.scatter [tilespmem:s22], [sflag:$0x2], $0x400, s17, s16, $0x38;
	[tilespmem:$0x10000] =	vst v63  }
0xd9: {  	s22 =	sadd.s32 $0x8C00, s23;
	s24 =	sadd.s32 $0xC0, s21  }
0xda: {  	[hbm4b:s24+s16] =	stream.strided.scatter [tilespmem:s22], [sflag:$0x2], $0x400, s17, s16, $0x38;
	[tilespmem:$0x10000] =	vst v63  }
0xdb: {  	s22 =	sadd.s32 $0x9000, s23;
	s24 =	sadd.s32 $0x100, s21  }
0xdc: {  	[hbm4b:s24+s16] =	stream.strided.scatter [tilespmem:s22], [sflag:$0x2], $0x400, s17, s16, $0x38;
	[tilespmem:$0x10000] =	vst v63  }
.Ltmp5:
0xdd: {  	s22 =	sadd.s32 $0x9400, s23;
	s24 =	sadd.s32 $0x140, s21;
	(pc) =	sbr.rel @p0 .LBB2_12-.Ltmp5, $4  }
0xde: {  	[hbm4b:s24+s16] =	stream.strided.scatter [tilespmem:s22], [sflag:$0x2], $0x400, s17, s16, $0x38;
	[tilespmem:$0x10000] =	vst v63  }
0xdf: {  	s22 =	sadd.s32 $0x9800, s23;
	s24 =	sadd.s32 $0x180, s21;
	s23 =	sadd.s32 $0x9C00, s23  }
0xe0: {  	[hbm4b:s24+s16] =	stream.strided.scatter [tilespmem:s22], [sflag:$0x2], $0x400, s17, s16, $0x38;
	[tilespmem:$0x10000] =	vst v63  }
0xe1: {  	s24 =	sadd.s32 $0x1C0, s21;
	s21 =	sadd.s32 $0x1000, s21;
	s22 =	smov.u32 s25  }
0xe2: {  	[hbm4b:s24+s16] =	stream.strided.scatter [tilespmem:s23], [sflag:$0x2], $0x400, s17, s16, $0x38;
	[tilespmem:$0x10000] =	vst v63  }
0xe3: {  	s22 =	sadd.s32 $0x8000, s20  }
0xe4: {  	[hbm4b:s21+s16] =	stream.strided.scatter [tilespmem:s22], [sflag:$0x2], $0x400, s17, s16, $0x38;
	[tilespmem:$0x10000] =	vst v63  }
0xe5: {  	s30 =	sadd.s32 $0x8400, s20;
	s31 =	sadd.s32 $0x40, s21  }
0xe6: {  	[hbm4b:s31+s16] =	stream.strided.scatter [tilespmem:s30], [sflag:$0x2], $0x400, s17, s16, $0x38;
	[tilespmem:$0x10000] =	vst v63  }
0xe7: {  	s23 =	sadd.s32 $0x8800, s20;
	s24 =	sadd.s32 $0x80, s21  }
0xe8: {  	[hbm4b:s24+s16] =	stream.strided.scatter [tilespmem:s23], [sflag:$0x2], $0x400, s17, s16, $0x38;
	[tilespmem:$0x10000] =	vst v63  }
0xe9: {  	s25 =	sadd.s32 $0x8C00, s20;
	s26 =	sadd.s32 $0xC0, s21  }
0xea: {  	[hbm4b:s26+s16] =	stream.strided.scatter [tilespmem:s25], [sflag:$0x2], $0x400, s17, s16, $0x38;
	[tilespmem:$0x10000] =	vst v63  }
0xeb: {  	s28 =	sadd.s32 $0x9000, s20;
	s29 =	sadd.s32 $0x100, s21  }
0xec: {  	[hbm4b:s29+s16] =	stream.strided.scatter [tilespmem:s28], [sflag:$0x2], $0x400, s17, s16, $0x38;
	[tilespmem:$0x10000] =	vst v63  }
0xed: {  	s30 =	sadd.s32 $0x9400, s20;
	s31 =	sadd.s32 $0x140, s21  }
0xee: {  	[hbm4b:s31+s16] =	stream.strided.scatter [tilespmem:s30], [sflag:$0x2], $0x400, s17, s16, $0x38;
	[tilespmem:$0x10000] =	vst v63  }
0xef: {  	s24 =	sadd.s32 $0x9800, s20;
	s25 =	sadd.s32 $0x180, s21  }
0xf0: {  	[hbm4b:s25+s16] =	stream.strided.scatter [tilespmem:s24], [sflag:$0x2], $0x400, s17, s16, $0x38;
	[tilespmem:$0x10000] =	vst v63  }
0xf1: {  	s26 =	sadd.s32 $0x9C00, s20;
	s28 =	sadd.s32 $0x1C0, s21  }
0xf2: {  	[hbm4b:s28+s16] =	stream.strided.scatter [tilespmem:s26], [sflag:$0x2], $0x400, s17, s16, $0x38;
	[tilespmem:$0x10000] =	vst v63  }
0xf3: {  	s29 =	simm.s32 $0x8000  }
0xf4: {  	[hbm4b:s11+s16] =	stream.strided.scatter [tilespmem:s29], [sflag:$0x2], $0x400, s17, s16, $0x38;
	[tilespmem:$0x10000] =	vst v63  }
0xf5: {  	s30 =	simm.s32 $0x8400;
	s31 =	sadd.s32 $0x40, s11  }
0xf6: {  	[hbm4b:s31+s16] =	stream.strided.scatter [tilespmem:s30], [sflag:$0x2], $0x400, s17, s16, $0x38;
	[tilespmem:$0x10000] =	vst v63  }
0xf7: {  	s22 =	sadd.s32 $0x80, s11;
	s23 =	simm.s32 $0x8C00;
	s21 =	simm.s32 $0x8800  }
0xf8: {  	[hbm4b:s22+s16] =	stream.strided.scatter [tilespmem:s21], [sflag:$0x2], $0x400, s17, s16, $0x38;
	[tilespmem:$0x10000] =	vst v63  }
0xf9: {  	s20 =	simm.s32 $0x2000;
	s24 =	sadd.s32 $0xC0, s11;
	s25 =	simm.s32 $0x9000  }
0xfa: {  	[hbm4b:s24+s16] =	stream.strided.scatter [tilespmem:s23], [sflag:$0x2], $0x400, s17, s16, $0x38;
	[tilespmem:$0x10000] =	vst v63  }
0xfb: {  	s26 =	sadd.s32 $0x100, s11;
	s28 =	simm.s32 $0x9400;
	s29 =	sadd.s32 $0x140, s11  }
0xfc: {  	[hbm4b:s26+s16] =	stream.strided.scatter [tilespmem:s25], [sflag:$0x2], $0x400, s17, s16, $0x38;
	[tilespmem:$0x10000] =	vst v63  }
0xfd: {  	s30 =	simm.s32 $0x9800;
	s31 =	sadd.s32 $0x180, s11;
	s22 =	simm.s32 $0x10000  }
0xfe: {  	[hbm4b:s29+s16] =	stream.strided.scatter [tilespmem:s28], [sflag:$0x2], $0x400, s17, s16, $0x38;
	[tilespmem:$0x10000] =	vst v63  }
0xff: {  	s21 =	sadd.s32 $0x1000, s11;
	s23 =	simm.s32 $0x9C00;
	s24 =	sadd.s32 $0x1C0, s11  }
0x100: {  	[hbm4b:s31+s16] =	stream.strided.scatter [tilespmem:s30], [sflag:$0x2], $0x400, s17, s16, $0x38;
	[tilespmem:$0x10000] =	vst v63  }
.LBB2_14:
0x101: {  	[hbm4b:s24+s16] =	stream.strided.scatter [tilespmem:s23], [sflag:$0x2], $0x400, s17, s16, $0x38;
	[tilespmem:$0x10000] =	vst v63  }
0x102: {  	s23 =	smov.u32 s20;
	s20 =	smov.u32 s22  }
0x103: {  	s25 =	sadd.s32 $0x8000, s22;
	s20 =	sshra.s32 s20, $0x2;
	s24 =	sadd.s32 $0x8000, s23  }
0x104: {  	[hbm4b:s21+s16] =	stream.strided.scatter [tilespmem:s24], [sflag:$0x2], $0x400, s17, s16, $0x38;
	[tilespmem:$0x10000] =	vst v63  }
0x105: {  	p0 =	sne.s32 s22, $0x18000;
	s22 =	sadd.s32 $0x8400, s23;
	s24 =	sadd.s32 $0x40, s21  }
0x106: {  	[hbm4b:s24+s16] =	stream.strided.scatter [tilespmem:s22], [sflag:$0x2], $0x400, s17, s16, $0x38;
	[tilespmem:$0x10000] =	vst v63  }
0x107: {  	s22 =	sadd.s32 $0x8800, s23;
	s24 =	sadd.s32 $0x80, s21  }
0x108: {  	[hbm4b:s24+s16] =	stream.strided.scatter [tilespmem:s22], [sflag:$0x2], $0x400, s17, s16, $0x38;
	[tilespmem:$0x10000] =	vst v63  }
0x109: {  	s22 =	sadd.s32 $0x8C00, s23;
	s24 =	sadd.s32 $0xC0, s21  }
0x10a: {  	[hbm4b:s24+s16] =	stream.strided.scatter [tilespmem:s22], [sflag:$0x2], $0x400, s17, s16, $0x38;
	[tilespmem:$0x10000] =	vst v63  }
0x10b: {  	s22 =	sadd.s32 $0x9000, s23;
	s24 =	sadd.s32 $0x100, s21  }
0x10c: {  	[hbm4b:s24+s16] =	stream.strided.scatter [tilespmem:s22], [sflag:$0x2], $0x400, s17, s16, $0x38;
	[tilespmem:$0x10000] =	vst v63  }
.Ltmp6:
0x10d: {  	s22 =	sadd.s32 $0x9400, s23;
	s24 =	sadd.s32 $0x140, s21;
	(pc) =	sbr.rel @p0 .LBB2_14-.Ltmp6, $4  }
0x10e: {  	[hbm4b:s24+s16] =	stream.strided.scatter [tilespmem:s22], [sflag:$0x2], $0x400, s17, s16, $0x38;
	[tilespmem:$0x10000] =	vst v63  }
0x10f: {  	s22 =	sadd.s32 $0x9800, s23;
	s24 =	sadd.s32 $0x180, s21;
	s23 =	sadd.s32 $0x9C00, s23  }
0x110: {  	[hbm4b:s24+s16] =	stream.strided.scatter [tilespmem:s22], [sflag:$0x2], $0x400, s17, s16, $0x38;
	[tilespmem:$0x10000] =	vst v63  }
0x111: {  	s24 =	sadd.s32 $0x1C0, s21;
	s21 =	sadd.s32 $0x1000, s21;
	s22 =	smov.u32 s25  }
0x112: {  	[hbm4b:s24+s16] =	stream.strided.scatter [tilespmem:s23], [sflag:$0x2], $0x400, s17, s16, $0x38;
	[tilespmem:$0x10000] =	vst v63  }
0x113: {  	s22 =	sadd.s32 $0x8000, s20  }
0x114: {  	[hbm4b:s21+s16] =	stream.strided.scatter [tilespmem:s22], [sflag:$0x2], $0x400, s17, s16, $0x38;
	[tilespmem:$0x10000] =	vst v63  }
0x115: {  	s30 =	sadd.s32 $0x8400, s20;
	s31 =	sadd.s32 $0x40, s21  }
0x116: {  	[hbm4b:s31+s16] =	stream.strided.scatter [tilespmem:s30], [sflag:$0x2], $0x400, s17, s16, $0x38;
	[tilespmem:$0x10000] =	vst v63  }
0x117: {  	s23 =	sadd.s32 $0x8800, s20;
	s24 =	sadd.s32 $0x80, s21  }
0x118: {  	[hbm4b:s24+s16] =	stream.strided.scatter [tilespmem:s23], [sflag:$0x2], $0x400, s17, s16, $0x38;
	[tilespmem:$0x10000] =	vst v63  }
0x119: {  	s25 =	sadd.s32 $0x8C00, s20;
	s26 =	sadd.s32 $0xC0, s21  }
0x11a: {  	[hbm4b:s26+s16] =	stream.strided.scatter [tilespmem:s25], [sflag:$0x2], $0x400, s17, s16, $0x38;
	[tilespmem:$0x10000] =	vst v63  }
0x11b: {  	s28 =	sadd.s32 $0x9000, s20;
	s29 =	sadd.s32 $0x100, s21  }
0x11c: {  	[hbm4b:s29+s16] =	stream.strided.scatter [tilespmem:s28], [sflag:$0x2], $0x400, s17, s16, $0x38;
	[tilespmem:$0x10000] =	vst v63  }
0x11d: {  	s30 =	sadd.s32 $0x9400, s20;
	s31 =	sadd.s32 $0x140, s21  }
0x11e: {  	[hbm4b:s31+s16] =	stream.strided.scatter [tilespmem:s30], [sflag:$0x2], $0x400, s17, s16, $0x38;
	[tilespmem:$0x10000] =	vst v63  }
0x11f: {  	s24 =	sadd.s32 $0x9800, s20;
	s25 =	sadd.s32 $0x180, s21  }
0x120: {  	[hbm4b:s25+s16] =	stream.strided.scatter [tilespmem:s24], [sflag:$0x2], $0x400, s17, s16, $0x38;
	[tilespmem:$0x10000] =	vst v63  }
0x121: {  	s26 =	sadd.s32 $0x9C00, s20;
	s28 =	sadd.s32 $0x1C0, s21  }
0x122: {  	[hbm4b:s28+s16] =	stream.strided.scatter [tilespmem:s26], [sflag:$0x2], $0x400, s17, s16, $0x38;
	[tilespmem:$0x10000] =	vst v63  }
0x123: {  	s29 =	simm.s32 $0x8000  }
0x124: {  	[hbm4b:s12+s16] =	stream.strided.scatter [tilespmem:s29], [sflag:$0x2], $0x400, s17, s16, $0x38;
	[tilespmem:$0x10000] =	vst v63  }
0x125: {  	s30 =	simm.s32 $0x8400;
	s31 =	sadd.s32 $0x40, s12  }
0x126: {  	[hbm4b:s31+s16] =	stream.strided.scatter [tilespmem:s30], [sflag:$0x2], $0x400, s17, s16, $0x38;
	[tilespmem:$0x10000] =	vst v63  }
0x127: {  	s22 =	sadd.s32 $0x80, s12;
	s23 =	simm.s32 $0x8C00;
	s21 =	simm.s32 $0x8800  }
0x128: {  	[hbm4b:s22+s16] =	stream.strided.scatter [tilespmem:s21], [sflag:$0x2], $0x400, s17, s16, $0x38;
	[tilespmem:$0x10000] =	vst v63  }
0x129: {  	s20 =	simm.s32 $0x2000;
	s24 =	sadd.s32 $0xC0, s12;
	s25 =	simm.s32 $0x9000  }
0x12a: {  	[hbm4b:s24+s16] =	stream.strided.scatter [tilespmem:s23], [sflag:$0x2], $0x400, s17, s16, $0x38;
	[tilespmem:$0x10000] =	vst v63  }
0x12b: {  	s26 =	sadd.s32 $0x100, s12;
	s28 =	simm.s32 $0x9400;
	s29 =	sadd.s32 $0x140, s12  }
0x12c: {  	[hbm4b:s26+s16] =	stream.strided.scatter [tilespmem:s25], [sflag:$0x2], $0x400, s17, s16, $0x38;
	[tilespmem:$0x10000] =	vst v63  }
0x12d: {  	s30 =	simm.s32 $0x9800;
	s31 =	sadd.s32 $0x180, s12;
	s22 =	simm.s32 $0x10000  }
0x12e: {  	[hbm4b:s29+s16] =	stream.strided.scatter [tilespmem:s28], [sflag:$0x2], $0x400, s17, s16, $0x38;
	[tilespmem:$0x10000] =	vst v63  }
0x12f: {  	s21 =	sadd.s32 $0x1000, s12;
	s23 =	simm.s32 $0x9C00;
	s24 =	sadd.s32 $0x1C0, s12  }
0x130: {  	[hbm4b:s31+s16] =	stream.strided.scatter [tilespmem:s30], [sflag:$0x2], $0x400, s17, s16, $0x38;
	[tilespmem:$0x10000] =	vst v63  }
.LBB2_16:
0x131: {  	[hbm4b:s24+s16] =	stream.strided.scatter [tilespmem:s23], [sflag:$0x2], $0x400, s17, s16, $0x38;
	[tilespmem:$0x10000] =	vst v63  }
0x132: {  	s23 =	smov.u32 s20;
	s20 =	smov.u32 s22  }
0x133: {  	s25 =	sadd.s32 $0x8000, s22;
	s20 =	sshra.s32 s20, $0x2;
	s24 =	sadd.s32 $0x8000, s23  }
0x134: {  	[hbm4b:s21+s16] =	stream.strided.scatter [tilespmem:s24], [sflag:$0x2], $0x400, s17, s16, $0x38;
	[tilespmem:$0x10000] =	vst v63  }
0x135: {  	p0 =	sne.s32 s22, $0x18000;
	s22 =	sadd.s32 $0x8400, s23;
	s24 =	sadd.s32 $0x40, s21  }
0x136: {  	[hbm4b:s24+s16] =	stream.strided.scatter [tilespmem:s22], [sflag:$0x2], $0x400, s17, s16, $0x38;
	[tilespmem:$0x10000] =	vst v63  }
0x137: {  	s22 =	sadd.s32 $0x8800, s23;
	s24 =	sadd.s32 $0x80, s21  }
0x138: {  	[hbm4b:s24+s16] =	stream.strided.scatter [tilespmem:s22], [sflag:$0x2], $0x400, s17, s16, $0x38;
	[tilespmem:$0x10000] =	vst v63  }
0x139: {  	s22 =	sadd.s32 $0x8C00, s23;
	s24 =	sadd.s32 $0xC0, s21  }
0x13a: {  	[hbm4b:s24+s16] =	stream.strided.scatter [tilespmem:s22], [sflag:$0x2], $0x400, s17, s16, $0x38;
	[tilespmem:$0x10000] =	vst v63  }
0x13b: {  	s22 =	sadd.s32 $0x9000, s23;
	s24 =	sadd.s32 $0x100, s21  }
0x13c: {  	[hbm4b:s24+s16] =	stream.strided.scatter [tilespmem:s22], [sflag:$0x2], $0x400, s17, s16, $0x38;
	[tilespmem:$0x10000] =	vst v63  }
.Ltmp7:
0x13d: {  	s22 =	sadd.s32 $0x9400, s23;
	s24 =	sadd.s32 $0x140, s21;
	(pc) =	sbr.rel @p0 .LBB2_16-.Ltmp7, $4  }
0x13e: {  	[hbm4b:s24+s16] =	stream.strided.scatter [tilespmem:s22], [sflag:$0x2], $0x400, s17, s16, $0x38;
	[tilespmem:$0x10000] =	vst v63  }
0x13f: {  	s22 =	sadd.s32 $0x9800, s23;
	s24 =	sadd.s32 $0x180, s21;
	s23 =	sadd.s32 $0x9C00, s23  }
0x140: {  	[hbm4b:s24+s16] =	stream.strided.scatter [tilespmem:s22], [sflag:$0x2], $0x400, s17, s16, $0x38;
	[tilespmem:$0x10000] =	vst v63  }
0x141: {  	s24 =	sadd.s32 $0x1C0, s21;
	s21 =	sadd.s32 $0x1000, s21;
	s22 =	smov.u32 s25  }
0x142: {  	[hbm4b:s24+s16] =	stream.strided.scatter [tilespmem:s23], [sflag:$0x2], $0x400, s17, s16, $0x38;
	[tilespmem:$0x10000] =	vst v63  }
0x143: {  	s22 =	sadd.s32 $0x8000, s20  }
0x144: {  	[hbm4b:s21+s16] =	stream.strided.scatter [tilespmem:s22], [sflag:$0x2], $0x400, s17, s16, $0x38;
	[tilespmem:$0x10000] =	vst v63  }
0x145: {  	s25 =	sadd.s32 $0x8400, s20;
	s26 =	sadd.s32 $0x40, s21  }
0x146: {  	[hbm4b:s26+s16] =	stream.strided.scatter [tilespmem:s25], [sflag:$0x2], $0x400, s17, s16, $0x38;
	[tilespmem:$0x10000] =	vst v63  }
0x147: {  	s28 =	sadd.s32 $0x8800, s20;
	s29 =	sadd.s32 $0x80, s21  }
0x148: {  	[hbm4b:s29+s16] =	stream.strided.scatter [tilespmem:s28], [sflag:$0x2], $0x400, s17, s16, $0x38;
	[tilespmem:$0x10000] =	vst v63  }
0x149: {  	s30 =	sadd.s32 $0x8C00, s20;
	s31 =	sadd.s32 $0xC0, s21  }
0x14a: {  	[hbm4b:s31+s16] =	stream.strided.scatter [tilespmem:s30], [sflag:$0x2], $0x400, s17, s16, $0x38;
	[tilespmem:$0x10000] =	vst v63  }
0x14b: {  	s23 =	sadd.s32 $0x9000, s20;
	s24 =	sadd.s32 $0x100, s21  }
0x14c: {  	[hbm4b:s24+s16] =	stream.strided.scatter [tilespmem:s23], [sflag:$0x2], $0x400, s17, s16, $0x38;
	[tilespmem:$0x10000] =	vst v63  }
0x14d: {  	s25 =	sadd.s32 $0x9400, s20;
	s26 =	sadd.s32 $0x140, s21  }
0x14e: {  	[hbm4b:s26+s16] =	stream.strided.scatter [tilespmem:s25], [sflag:$0x2], $0x400, s17, s16, $0x38;
	[tilespmem:$0x10000] =	vst v63  }
0x14f: {  	s28 =	sadd.s32 $0x9800, s20;
	s29 =	sadd.s32 $0x180, s21  }
0x150: {  	[hbm4b:s29+s16] =	stream.strided.scatter [tilespmem:s28], [sflag:$0x2], $0x400, s17, s16, $0x38;
	[tilespmem:$0x10000] =	vst v63  }
0x151: {  	s30 =	sadd.s32 $0x9C00, s20;
	s31 =	sadd.s32 $0x1C0, s21  }
0x152: {  	[hbm4b:s31+s16] =	stream.strided.scatter [tilespmem:s30], [sflag:$0x2], $0x400, s17, s16, $0x38;
	[tilespmem:$0x10000] =	vst v63  }
0x153: {  	_ =	swait.ge [sflag:s18], $0x8000  }
0x154: {  	[sflag:s18] =	ssyncset.done $0x0  }
0x155: {  	[sflag:s18] =	ssyncadd.s32 $0xFFFF8000  }
0x156: {  	_ =	swait.ge [sflag:s18], $0x8000  }
0x157: {  	[sflag:s18] =	ssyncset.done $0x0  }
0x158: {  	[sflag:s18] =	ssyncadd.s32 $0xFFFF8000  }
0x159: {  	_ =	swait.ge [sflag:s18], $0x8000  }
0x15a: {  	[sflag:s18] =	ssyncset.done $0x0  }
0x15b: {  	[sflag:s18] =	ssyncadd.s32 $0xFFFF8000  }
0x15c: {  	_ =	swait.ge [sflag:s18], $0x8000  }
0x15d: {  	[sflag:s18] =	ssyncset.done $0x0  }
0x15e: {  	[sflag:s18] =	ssyncadd.s32 $0xFFFF8000  }
0x15f: {  	_ =	swait.ge [sflag:s18], $0x8000  }
0x160: {  	[sflag:s18] =	ssyncset.done $0x0  }
0x161: {  	[sflag:s18] =	ssyncadd.s32 $0xFFFF8000  }
0x162: {  	_ =	swait.ge [sflag:s18], $0x8000  }
0x163: {  	[sflag:s18] =	ssyncset.done $0x0  }
0x164: {  	s19 =	sadd.s32 $0x1, s19;
	[sflag:s18] =	ssyncadd.s32 $0xFFFF8000  }
0x165: {  	p0 =	sne.s32 s19, s13;
	_ =	swait.ge [sflag:s18], $0x8000  }
.Ltmp8:
0x166: {  	[sflag:s18] =	ssyncset.done $0x0;
	(pc) =	sbr.rel @p0 .LBB2_1-.Ltmp8, $4  }
0x167: {  	[sflag:s18] =	ssyncadd.s32 $0xFFFF8000  }
0x168: {  	_ =	swait.ge [sflag:s18], $0x8000  }
0x169: {  	[sflag:s18] =	ssyncset.done $0x0  }
0x16a: {  	[sflag:s18] =	ssyncadd.s32 $0xFFFF8000  }
0x16b: {  	_ =	sfence.sel $0x180000  }
0x16c: {  	[bflag:$0x0] =	sbarrier.arrive $0xFFFF  }
0x16d: {  	p0 =	sne.s32 s1, $0x0;
	_ =	strace $0x90000047  }
0x16e: {  	s0 =	sadd.s32 @!p0 $0x100000, s0;
	[bflag:$0x2] =	sbarrier.arrive $0xFFFF  }
0x16f: {  	[sflag:s0] =	ssyncadd.tile.s32 @!p0 $0x1;
	_ =	shalt  }
.Lfunc_end2:
_tile_overlayer_lowered:
.L_overlay_start_2:
0x170: {  	(tag) =	ssettag $0x2  }
0x171: {  	s0 =	rddreg [dreg:$0x0];
	s2 =	stileid.u32  }
0x172: {  	s1 =	rddreg [dreg:$0x1];
	p0 =	sne.s32 s2, $0x0  }
0x173: {  	s3 =	rddreg [dreg:$0x2];
	[bflag:$0x3] =	sbarrier.arrive $0xFFFF;
	s2 =	simm.s32 @!p0 $0x1C03  }
0x174: {  	[timem:s3], [sflag:s2] =	dma.local @!p0 [hbm:s0], s1  }
0x175: {  	s0 =	simm.s32 @!p0 $0x3  }
0x176: {  	_ =	swait.ge @!p0 [sflag:s0], s1  }
0x177: {  	s1 =	ssub.s32 @!p0 $0x0, s1;
	[sflag:s0] =	ssyncset.done @!p0 $0x0  }
0x178: {  	[sflag:s0] =	ssyncadd.s32 @!p0 s1  }
0x179: {  	[bflag:$0x3] =	sbarrier.arrive $0xFFFF  }
0x17a: {  	_ =	shalt  }

</sc_bundles>
